<compile_context>
chip_gen: v7x
topology: tpu7x:2x2x1
jax: 0.10.2.dev20260603
libtpu: 0.0.44.dev20260713+nightly
codegen_flags: <defaults>
</compile_context>

<pallas_src>
import functools

import jax
import jax.numpy as jnp
from jax import lax
from jax.experimental import pallas as pl
from jax.experimental.pallas import tpu as pltpu
from jax.experimental.pallas import tpu_sc as plsc

N = 10000
NP = 10240
D = 256
HALF = 128
NCLS = 6
CPAD = 16
CHUNK = 128
DCHUNK = 128
NC, NS = 2, 16
NW = NC * NS
E_PAD = 163840
CH_W = E_PAD // (NW * CHUNK)
CH_T = E_PAD // (NS * CHUNK)
CH_D = E_PAD // (NW * DCHUNK)
DUMP = N
RPT = NP // NS
N_ACC = 10112
RPT_A = N_ACC // NS
BLK = 1024
NBUF = 3


def _mesh():
    return plsc.VectorSubcoreMesh(core_axis_name="c", subcore_axis_name="s")


def _sc_deg(dst4, ones_h, zeros_h):

    @functools.partial(
        pl.kernel, mesh=_mesh(),
        out_type=jax.ShapeDtypeStruct((NC, NP, HALF), jnp.float32),
        scratch_types=[
            pltpu.VMEM((CH_D, DCHUNK), jnp.int32),
            pltpu.VMEM((DCHUNK, HALF), jnp.float32),
            pltpu.SemaphoreType.DMA,
            pltpu.VMEM_SHARED((NP, HALF), jnp.float32),
        ],
    )
    def k(dst_hbm, ones_hbm, zeros_hbm, out_hbm, dst_v, ones_v, sem, acc):
        cid = lax.axis_index("c")
        sid = lax.axis_index("s")
        wid = sid * NC + cid
        pltpu.sync_copy(zeros_hbm, acc.at[pl.ds(sid * RPT, RPT)])
        pltpu.sync_copy(ones_hbm, ones_v)
        pltpu.sync_copy(dst_hbm.at[wid], dst_v)
        plsc.subcore_barrier()

        @pl.loop(0, CH_D)
        def _(j):
            pltpu.async_copy(ones_v, acc.at[dst_v.at[j]], sem, add=True)

        @pl.loop(0, CH_D)
        def _(j):
            pltpu.make_async_copy(ones_v, acc.at[dst_v.at[0]], sem).wait()

        plsc.subcore_barrier()
        pltpu.sync_copy(acc.at[pl.ds(sid * RPT, RPT)],
                        out_hbm.at[cid, pl.ds(sid * RPT, RPT)])

    return k(dst4, ones_h, zeros_h)


def _sc_agg(table, src_idx, dst_idx, zeros_h, ch):

    @functools.partial(
        pl.kernel, mesh=_mesh(),
        out_type=jax.ShapeDtypeStruct((NC, NP, HALF), jnp.float32),
        scratch_types=[pltpu.VMEM((CHUNK,), jnp.int32) for _ in range(NBUF)]
        + [pltpu.VMEM((CHUNK,), jnp.int32) for _ in range(NBUF)]
        + [pltpu.VMEM((CHUNK, HALF), jnp.float32) for _ in range(NBUF)]
        + [pltpu.SemaphoreType.DMA for _ in range(3 * NBUF)]
        + [pltpu.VMEM_SHARED((N_ACC, HALF), jnp.float32)],
    )
    def k(tab_hbm, src_hbm, dst_hbm, zeros_hbm, out_hbm, *rest):
        sidx = rest[:NBUF]
        didx = rest[NBUF:2 * NBUF]
        rows = rest[2 * NBUF:3 * NBUF]
        sis = rest[3 * NBUF:4 * NBUF]
        sds = rest[4 * NBUF:5 * NBUF]
        sgs = rest[5 * NBUF:6 * NBUF]
        acc = rest[6 * NBUF]
        cid = lax.axis_index("c")
        sid = lax.axis_index("s")
        pltpu.sync_copy(zeros_hbm, acc.at[pl.ds(sid * RPT_A, RPT_A)])
        plsc.subcore_barrier()

        for b in range(NBUF):
            pltpu.async_copy(src_hbm.at[cid, sid, b], sidx[b], sis[b])
            pltpu.async_copy(dst_hbm.at[cid, sid, b], didx[b], sds[b])
        for b in range(NBUF):
            pltpu.make_async_copy(src_hbm.at[cid, sid, 0], sidx[b], sis[b]).wait()
            pltpu.async_copy(tab_hbm.at[sidx[b]], rows[b], sgs[b])

        @pl.loop(0, ch // NBUF)
        def _(g):
            for b in range(NBUF):
                j = g * NBUF + b
                nxt = j + NBUF
                pltpu.make_async_copy(tab_hbm.at[sidx[b]], rows[b],
                                      sgs[b]).wait()

                @pl.when(nxt < ch)
                def _():
                    pltpu.async_copy(src_hbm.at[cid, sid, nxt], sidx[b], sis[b])

                pltpu.make_async_copy(dst_hbm.at[cid, sid, 0], didx[b],
                                      sds[b]).wait()
                pltpu.sync_copy(rows[b], acc.at[didx[b]], add=True)

                @pl.when(nxt < ch)
                def _():
                    pltpu.async_copy(dst_hbm.at[cid, sid, nxt], didx[b], sds[b])
                    pltpu.make_async_copy(src_hbm.at[cid, sid, 0], sidx[b],
                                          sis[b]).wait()
                    pltpu.async_copy(tab_hbm.at[sidx[b]], rows[b], sgs[b])

        base = (ch // NBUF) * NBUF
        for b in range(ch % NBUF):
            j = base + b
            pltpu.make_async_copy(tab_hbm.at[sidx[b]], rows[b], sgs[b]).wait()
            pltpu.make_async_copy(dst_hbm.at[cid, sid, 0], didx[b],
                                  sds[b]).wait()
            pltpu.sync_copy(rows[b], acc.at[didx[b]], add=True)

        plsc.subcore_barrier()
        pltpu.sync_copy(acc.at[pl.ds(sid * RPT_A, RPT_A)],
                        out_hbm.at[cid, pl.ds(sid * RPT_A, RPT_A)])

    return k(table, src_idx, dst_idx, zeros_h)


def _dinv(deg_blk):
    d = deg_blk[0, :, :1] + deg_blk[1, :, :1] + 1.0
    return lax.rsqrt(d)


def _tc_xws(xp, W1, deg):

    def body(x_ref, w_ref, deg_ref, out_ref):
        xw = lax.dot_general(x_ref[...], w_ref[...], (((1,), (0,)), ((), ())))
        xws = xw * _dinv(deg_ref[...])
        out_ref[0] = xws[:, :HALF]
        out_ref[1] = xws[:, HALF:]

    return pl.pallas_call(
        body,
        grid=(NP // BLK,),
        in_specs=[pl.BlockSpec((BLK, D), lambda i: (i, 0)),
                  pl.BlockSpec((D, D), lambda i: (0, 0)),
                  pl.BlockSpec((NC, BLK, HALF), lambda i: (0, i, 0))],
        out_specs=pl.BlockSpec((NC, BLK, HALF), lambda i: (0, i, 0)),
        out_shape=jax.ShapeDtypeStruct((NC, NP, HALF), jnp.float32),
    )(xp, W1, deg)


def _tc_hidden(agg, xws, deg, b1r, W2p):

    def body(agg_ref, xws_ref, deg_ref, b1_ref, w2_ref, out_ref):
        a = agg_ref[...]
        s = xws_ref[...]
        full_a = jnp.concatenate([a[0], a[1]], axis=1)
        full_s = jnp.concatenate([s[0], s[1]], axis=1)
        dinv = _dinv(deg_ref[...])
        h = jnp.maximum(dinv * (full_a + full_s) + b1_ref[0], 0.0)
        hw = lax.dot_general(h, w2_ref[...], (((1,), (0,)), ((), ())))
        out_ref[...] = dinv * hw

    return pl.pallas_call(
        body,
        grid=(NP // BLK,),
        in_specs=[pl.BlockSpec((NC, BLK, HALF), lambda i: (0, i, 0)),
                  pl.BlockSpec((NC, BLK, HALF), lambda i: (0, i, 0)),
                  pl.BlockSpec((NC, BLK, HALF), lambda i: (0, i, 0)),
                  pl.BlockSpec((1, D), lambda i: (0, 0)),
                  pl.BlockSpec((D, HALF), lambda i: (0, 0))],
        out_specs=pl.BlockSpec((BLK, HALF), lambda i: (i, 0)),
        out_shape=jax.ShapeDtypeStruct((NP, HALF), jnp.float32),
    )(agg, xws, deg, b1r, W2p)


def _tc_final(agg2, hws, deg, b2p):

    def body(agg_ref, hws_ref, deg_ref, b2_ref, out_ref):
        a = agg_ref[...]
        dinv = _dinv(deg_ref[...])
        v = dinv * (a[0] + a[1] + hws_ref[...]) + b2_ref[0]
        col = lax.broadcasted_iota(jnp.int32, (BLK, HALF), 1)
        valid = col < NCLS
        m = jnp.max(jnp.where(valid, v, -1e30), axis=1, keepdims=True)
        ex = jnp.where(valid, jnp.exp(v - m), 0.0)
        ssum = jnp.sum(ex, axis=1, keepdims=True)
        out_ref[...] = v - m - jnp.log(ssum)

    return pl.pallas_call(
        body,
        grid=(NP // BLK,),
        in_specs=[pl.BlockSpec((NC, BLK, HALF), lambda i: (0, i, 0)),
                  pl.BlockSpec((BLK, HALF), lambda i: (i, 0)),
                  pl.BlockSpec((NC, BLK, HALF), lambda i: (0, i, 0)),
                  pl.BlockSpec((1, HALF), lambda i: (0, 0))],
        out_specs=pl.BlockSpec((BLK, HALF), lambda i: (i, 0)),
        out_shape=jax.ShapeDtypeStruct((NP, HALF), jnp.float32),
    )(agg2, hws, deg, b2p)


def kernel(x, edge_index, W1, b1, W2, b2):
    src = edge_index[0].astype(jnp.int32)
    dst = edge_index[1].astype(jnp.int32)
    e = src.shape[0]
    pad = E_PAD - e
    src_p = jnp.concatenate([src, jnp.zeros((pad,), jnp.int32)])
    dst_p = jnp.concatenate([dst, jnp.full((pad,), DUMP, jnp.int32)])

    dst4 = dst_p.reshape(NW, CH_D, DCHUNK)
    src_w = src_p.reshape(NC, NS, CH_W, CHUNK)
    dst_w = dst_p.reshape(NC, NS, CH_W, CHUNK)
    src_t = jnp.stack([src_p, src_p + NP]).reshape(NC, NS, CH_T, CHUNK)
    dst_t = jnp.broadcast_to(dst_p.reshape(1, NS, CH_T, CHUNK),
                             (NC, NS, CH_T, CHUNK))

    xp = jnp.pad(x, ((0, NP - N), (0, 0)))
    zeros_h = jnp.zeros((RPT, HALF), jnp.float32)
    zeros_a = jnp.zeros((RPT_A, HALF), jnp.float32)
    ones_h = jnp.ones((DCHUNK, HALF), jnp.float32)
    b1r = b1.reshape(1, D)
    W2p = jnp.pad(W2, ((0, 0), (0, HALF - NCLS)))
    b2p = jnp.pad(b2, (0, HALF - NCLS)).reshape(1, HALF)

    deg = _sc_deg(dst4, ones_h, zeros_h)
    xws = _tc_xws(xp, W1, deg)
    table = xws.reshape(NC * NP, HALF)
    agg = _sc_agg(table, src_t, dst_t, zeros_a, CH_T)
    hws = _tc_hidden(agg, xws, deg, b1r, W2p)
    agg2 = _sc_agg(hws, src_w, dst_w, zeros_a, CH_W)
    outw = _tc_final(agg2, hws, deg, b2p)
    return outw[:N, :NCLS]

# --- scband reference (transcript-rebuilt; emitter-appended) ---
"""Pipeline reference for scband-gcn-net-377957122124 (READ-ONLY COPY).

The authoritative reference and input builder live on the scoring server;
editing this copy changes nothing except your own understanding.
"""

import jax, jax.numpy as jnp
import numpy as np

N_NODES = 10000
N_EDGES = 160000
D_FEAT = 256
D_HIDDEN = 256
N_CLASSES = 6


def glorot(key, shape):
    fan_in, fan_out = shape[0], shape[1]
    limit = np.sqrt(6.0 / (fan_in + fan_out))
    return jax.random.uniform(key, shape, dtype=jnp.float32, minval=-limit, maxval=limit)


def setup_inputs(seed: int = 0) -> dict:
    key = jax.random.key(seed)
    k_x, k_e, k_w1, k_w2 = jax.random.split(key, 4)
    x = jax.random.normal(k_x, (N_NODES, D_FEAT), dtype=jnp.float32)
    edge_index = jax.random.randint(k_e, (2, N_EDGES), 0, N_NODES, dtype=jnp.int64)
    W1 = glorot(k_w1, (D_FEAT, D_HIDDEN))
    b1 = jnp.zeros((D_HIDDEN,), dtype=jnp.float32)
    W2 = glorot(k_w2, (D_HIDDEN, N_CLASSES))
    b2 = jnp.zeros((N_CLASSES,), dtype=jnp.float32)
    return {"x": x, "edge_index": edge_index, "W1": W1, "b1": b1, "W2": W2, "b2": b2}


def gcn_conv(x, src, dst, W, b, num_nodes):
    # PyG GCNConv: add self-loops, symmetric normalization D^-1/2 (A+I) D^-1/2 X W + b
    loop = jnp.arange(num_nodes, dtype=src.dtype)
    src_sl = jnp.concatenate([src, loop])
    dst_sl = jnp.concatenate([dst, loop])
    deg = jnp.zeros((num_nodes,), dtype=jnp.float32).at[dst_sl].add(1.0)
    deg_inv_sqrt = jnp.where(deg > 0, deg ** -0.5, 0.0)
    norm = deg_inv_sqrt[src_sl] * deg_inv_sqrt[dst_sl]
    xw = x @ W
    msg = xw[src_sl] * norm[:, None]
    out = jnp.zeros((num_nodes, W.shape[1]), dtype=jnp.float32).at[dst_sl].add(msg)
    return out + b


def reference(x, edge_index, W1, b1, W2, b2):
    src, dst = edge_index[0], edge_index[1]
    h = gcn_conv(x, src, dst, W1, b1, N_NODES)
    h = jax.nn.relu(h)
    # F.dropout(x, training=self.training) is identity in eval mode
    h = gcn_conv(h, src, dst, W2, b2, N_NODES)
    return jax.nn.log_softmax(h, axis=1)

if __name__ == "__main__":
    import jax
    _d = setup_inputs()
    print(jax.jit(kernel)(*tuple(_d.values())))

</pallas_src>

<mosaic_0001>
#map = affine_map<(d0, d1) -> (0, 0, 0)>
#map1 = affine_map<(d0, d1) -> (0, 0)>
module attributes {stable_mosaic.version = 14 : i64} {
  func.func @k(%arg0: i32, %arg1: i32, %arg2: memref<32x40x128xi32, #tpu.memory_space<hbm>>, %arg3: memref<128x128xf32, #tpu.memory_space<hbm>>, %arg4: memref<640x128xf32, #tpu.memory_space<hbm>>, %arg5: memref<2x10240x128xf32, #tpu.memory_space<hbm>>, %arg6: memref<40x128xi32, #tpu.memory_space<vmem>>, %arg7: memref<128x128xf32, #tpu.memory_space<vmem>>, %arg8: memref<!tpu.dma_semaphore, #tpu.memory_space<semaphore_mem>>, %arg9: memref<10240x128xf32, #tpu.memory_space<vmem_shared>>) attributes {dimension_semantics = [#tpu.dimension_semantics<core_parallel>, #tpu.dimension_semantics<subcore_parallel>], iteration_bounds = array<i64: 2, 16>, scalar_prefetch = 0 : i64, scratch_operands = 4 : i64, tpu.core_type = #tpu.core_type<sc_vector_subcore>, window_params = [{transform_indices = #map}, {transform_indices = #map1}, {transform_indices = #map1}, {transform_indices = #map}]} {
    %mul3A = arith.constant 2 : i32
    %mul3A_0 = arith.muli %arg1, %mul3A : i32
    %add3A = arith.addi %mul3A_0, %arg0 : i32
    %mul3A_1 = arith.constant 640 : i32
    %mul3A_2 = arith.muli %arg1, %mul3A_1 : i32
    "tpu.region"() ({
      %run_scoped3A = tpu.sem_alloc : memref<!tpu.dma_semaphore, #tpu.memory_space<semaphore_mem>>
      %dma_start3A = arith.constant 0 : i32
      %dma_start3A_17 = tpu.memref_slice %arg9[%mul3A_2, %dma_start3A] : memref<10240x128xf32, #tpu.memory_space<vmem_shared>> -> memref<640x128xf32, #tpu.memory_space<vmem_shared>>
      tpu.enqueue_dma source(%arg4 : memref<640x128xf32, #tpu.memory_space<hbm>>) target(%dma_start3A_17 : memref<640x128xf32, #tpu.memory_space<vmem_shared>>) target_semaphore(%run_scoped3A : memref<!tpu.dma_semaphore, #tpu.memory_space<semaphore_mem>>)
      %dma_wait3A = arith.constant 0 : i32
      %dma_wait3A_18 = tpu.memref_slice %arg9[%mul3A_2, %dma_wait3A] : memref<10240x128xf32, #tpu.memory_space<vmem_shared>> -> memref<640x128xf32, #tpu.memory_space<vmem_shared>>
      tpu.wait_dma2 semaphore(%run_scoped3A : memref<!tpu.dma_semaphore, #tpu.memory_space<semaphore_mem>>) src(%arg4 : memref<640x128xf32, #tpu.memory_space<hbm>>) dst(%dma_wait3A_18 : memref<640x128xf32, #tpu.memory_space<vmem_shared>>)
      tpu.yield
    }) : () -> ()
    "tpu.region"() ({
      %run_scoped3A = tpu.sem_alloc : memref<!tpu.dma_semaphore, #tpu.memory_space<semaphore_mem>>
      tpu.enqueue_dma source(%arg3 : memref<128x128xf32, #tpu.memory_space<hbm>>) target(%arg7 : memref<128x128xf32, #tpu.memory_space<vmem>>) target_semaphore(%run_scoped3A : memref<!tpu.dma_semaphore, #tpu.memory_space<semaphore_mem>>)
      tpu.wait_dma2 semaphore(%run_scoped3A : memref<!tpu.dma_semaphore, #tpu.memory_space<semaphore_mem>>) src(%arg3 : memref<128x128xf32, #tpu.memory_space<hbm>>) dst(%arg7 : memref<128x128xf32, #tpu.memory_space<vmem>>)
      tpu.yield
    }) : () -> ()
    "tpu.region"() ({
      %run_scoped3A = tpu.sem_alloc : memref<!tpu.dma_semaphore, #tpu.memory_space<semaphore_mem>>
      %dma_start3A = arith.constant 0 : i32
      %dma_start3A_17 = arith.constant 0 : i32
      %dma_start3A_18 = tpu.memref_slice %arg2[%add3A, %dma_start3A, %dma_start3A_17] : memref<32x40x128xi32, #tpu.memory_space<hbm>> -> memref<1x40x128xi32, #tpu.memory_space<hbm>>
      %dma_start3A_19 = tpu.memref_squeeze %dma_start3A_18 : memref<1x40x128xi32, #tpu.memory_space<hbm>> -> memref<40x128xi32, #tpu.memory_space<hbm>>
      %dma_start3A_20 = arith.constant 0 : i32
      %dma_start3A_21 = arith.constant 0 : i32
      %dma_start3A_22 = tpu.memref_slice %arg2[%add3A, %dma_start3A_20, %dma_start3A_21] : memref<32x40x128xi32, #tpu.memory_space<hbm>> -> memref<1x40x128xi32, #tpu.memory_space<hbm>>
      %dma_start3A_23 = tpu.memref_squeeze %dma_start3A_22 : memref<1x40x128xi32, #tpu.memory_space<hbm>> -> memref<40x128xi32, #tpu.memory_space<hbm>>
      tpu.enqueue_dma source(%dma_start3A_23 : memref<40x128xi32, #tpu.memory_space<hbm>>) target(%arg6 : memref<40x128xi32, #tpu.memory_space<vmem>>) target_semaphore(%run_scoped3A : memref<!tpu.dma_semaphore, #tpu.memory_space<semaphore_mem>>)
      %dma_wait3A = arith.constant 0 : i32
      %dma_wait3A_24 = arith.constant 0 : i32
      %dma_wait3A_25 = tpu.memref_slice %arg2[%add3A, %dma_wait3A, %dma_wait3A_24] : memref<32x40x128xi32, #tpu.memory_space<hbm>> -> memref<1x40x128xi32, #tpu.memory_space<hbm>>
      %dma_wait3A_26 = tpu.memref_squeeze %dma_wait3A_25 : memref<1x40x128xi32, #tpu.memory_space<hbm>> -> memref<40x128xi32, #tpu.memory_space<hbm>>
      %dma_wait3A_27 = arith.constant 0 : i32
      %dma_wait3A_28 = arith.constant 0 : i32
      %dma_wait3A_29 = tpu.memref_slice %arg2[%add3A, %dma_wait3A_27, %dma_wait3A_28] : memref<32x40x128xi32, #tpu.memory_space<hbm>> -> memref<1x40x128xi32, #tpu.memory_space<hbm>>
      %dma_wait3A_30 = tpu.memref_squeeze %dma_wait3A_29 : memref<1x40x128xi32, #tpu.memory_space<hbm>> -> memref<40x128xi32, #tpu.memory_space<hbm>>
      tpu.wait_dma2 semaphore(%run_scoped3A : memref<!tpu.dma_semaphore, #tpu.memory_space<semaphore_mem>>) src(%dma_wait3A_30 : memref<40x128xi32, #tpu.memory_space<hbm>>) dst(%arg6 : memref<40x128xi32, #tpu.memory_space<vmem>>)
      tpu.yield
    }) : () -> ()
    %barrier3A = arith.constant 0 : index
    tpu.barrier barrier_id(%barrier3A)
    %scan3A = arith.constant 0 : i32
    %scan3A_3 = arith.constant 40 : i32
    %scan3A_4 = arith.addi %scan3A, %scan3A_3 : i32
    %scan3A_5 = arith.constant 1 : i32
    scf.for %scan3A_17 = %scan3A to %scan3A_4 step %scan3A_5  : i32 {
      %mul3A_18 = arith.constant 1 : i32
      %mul3A_19 = arith.muli %scan3A_17, %mul3A_18 : i32
      %add3A_20 = arith.constant 0 : i32
      %add3A_21 = arith.addi %add3A_20, %mul3A_19 : i32
      %dma_start3A = arith.constant 0 : i32
      %dma_start3A_22 = tpu.memref_slice %arg6[%add3A_21, %dma_start3A] : memref<40x128xi32, #tpu.memory_space<vmem>> -> memref<1x128xi32, #tpu.memory_space<vmem>>
      %dma_start3A_23 = tpu.memref_squeeze %dma_start3A_22 : memref<1x128xi32, #tpu.memory_space<vmem>> -> memref<128xi32, #tpu.memory_space<vmem>>
      %dma_start3A_24 = arith.constant 0 : i32
      %dma_start3A_25 = arith.constant 0 : i32
      %dma_start3A_26 = tpu.memref_slice %arg9[%dma_start3A_24, %dma_start3A_25] : memref<10240x128xf32, #tpu.memory_space<vmem_shared>> -> memref<10240x128xf32, #tpu.memory_space<vmem_shared>>
      tpu.enqueue_indirect_dma source(%arg7 : memref<128x128xf32, #tpu.memory_space<vmem>>) target(%dma_start3A_26 : memref<10240x128xf32, #tpu.memory_space<vmem_shared>>) offsets(%dma_start3A_23 : memref<128xi32, #tpu.memory_space<vmem>>) semaphore(%arg8 : memref<!tpu.dma_semaphore, #tpu.memory_space<semaphore_mem>>) {add = true}
    }
    %scan3A_6 = arith.constant 40 : i32
    %scan3A_7 = arith.constant 0 : i32
    %scan3A_8 = arith.constant 40 : i32
    %scan3A_9 = arith.addi %scan3A_7, %scan3A_8 : i32
    %scan3A_10 = arith.constant 1 : i32
    scf.for %scan3A_17 = %scan3A_7 to %scan3A_9 step %scan3A_10  : i32 {
      %mul3A_18 = arith.constant 1 : i32
      %mul3A_19 = arith.muli %scan3A_17, %mul3A_18 : i32
      %add3A_20 = arith.constant 0 : i32
      %add3A_21 = arith.addi %add3A_20, %mul3A_19 : i32
      %dma_wait3A = arith.constant 0 : i32
      %dma_wait3A_22 = arith.constant 0 : i32
      %dma_wait3A_23 = tpu.memref_slice %arg6[%dma_wait3A, %dma_wait3A_22] : memref<40x128xi32, #tpu.memory_space<vmem>> -> memref<1x128xi32, #tpu.memory_space<vmem>>
      %dma_wait3A_24 = tpu.memref_squeeze %dma_wait3A_23 : memref<1x128xi32, #tpu.memory_space<vmem>> -> memref<128xi32, #tpu.memory_space<vmem>>
      %dma_wait3A_25 = arith.constant 0 : i32
      %dma_wait3A_26 = arith.constant 0 : i32
      %dma_wait3A_27 = tpu.memref_slice %arg9[%dma_wait3A_25, %dma_wait3A_26] : memref<10240x128xf32, #tpu.memory_space<vmem_shared>> -> memref<10240x128xf32, #tpu.memory_space<vmem_shared>>
      tpu.wait_indirect_dma semaphore(%arg8 : memref<!tpu.dma_semaphore, #tpu.memory_space<semaphore_mem>>) src(%arg7 : memref<128x128xf32, #tpu.memory_space<vmem>>) dst(%dma_wait3A_27 : memref<10240x128xf32, #tpu.memory_space<vmem_shared>>)
    }
    %scan3A_11 = arith.constant 40 : i32
    %barrier3A_12 = arith.constant 0 : index
    tpu.barrier barrier_id(%barrier3A_12)
    %mul3A_13 = arith.constant 640 : i32
    %mul3A_14 = arith.muli %arg1, %mul3A_13 : i32
    %mul3A_15 = arith.constant 640 : i32
    %mul3A_16 = arith.muli %arg1, %mul3A_15 : i32
    "tpu.region"() ({
      %run_scoped3A = tpu.sem_alloc : memref<!tpu.dma_semaphore, #tpu.memory_space<semaphore_mem>>
      %dma_start3A = arith.constant 0 : i32
      %dma_start3A_17 = tpu.memref_slice %arg5[%arg0, %mul3A_16, %dma_start3A] : memref<2x10240x128xf32, #tpu.memory_space<hbm>> -> memref<1x640x128xf32, #tpu.memory_space<hbm>>
      %dma_start3A_18 = tpu.memref_squeeze %dma_start3A_17 : memref<1x640x128xf32, #tpu.memory_space<hbm>> -> memref<640x128xf32, #tpu.memory_space<hbm>>
      %dma_start3A_19 = arith.constant 0 : i32
      %dma_start3A_20 = tpu.memref_slice %arg9[%mul3A_14, %dma_start3A_19] : memref<10240x128xf32, #tpu.memory_space<vmem_shared>> -> memref<640x128xf32, #tpu.memory_space<vmem_shared>>
      tpu.enqueue_dma source(%dma_start3A_20 : memref<640x128xf32, #tpu.memory_space<vmem_shared>>) target(%dma_start3A_18 : memref<640x128xf32, #tpu.memory_space<hbm>>) target_semaphore(%run_scoped3A : memref<!tpu.dma_semaphore, #tpu.memory_space<semaphore_mem>>)
      %dma_wait3A = arith.constant 0 : i32
      %dma_wait3A_21 = tpu.memref_slice %arg5[%arg0, %mul3A_16, %dma_wait3A] : memref<2x10240x128xf32, #tpu.memory_space<hbm>> -> memref<1x640x128xf32, #tpu.memory_space<hbm>>
      %dma_wait3A_22 = tpu.memref_squeeze %dma_wait3A_21 : memref<1x640x128xf32, #tpu.memory_space<hbm>> -> memref<640x128xf32, #tpu.memory_space<hbm>>
      %dma_wait3A_23 = arith.constant 0 : i32
      %dma_wait3A_24 = tpu.memref_slice %arg9[%mul3A_14, %dma_wait3A_23] : memref<10240x128xf32, #tpu.memory_space<vmem_shared>> -> memref<640x128xf32, #tpu.memory_space<vmem_shared>>
      tpu.wait_dma2 semaphore(%run_scoped3A : memref<!tpu.dma_semaphore, #tpu.memory_space<semaphore_mem>>) src(%dma_wait3A_24 : memref<640x128xf32, #tpu.memory_space<vmem_shared>>) dst(%dma_wait3A_22 : memref<640x128xf32, #tpu.memory_space<hbm>>)
      tpu.yield
    }) : () -> ()
    return
  }
}

#map = affine_map<(d0, d1) -> (0, 0)>
#map1 = affine_map<(d0, d1) -> (0, 0, 0, 0)>
#map2 = affine_map<(d0, d1) -> (0, 0, 0)>
module attributes {stable_mosaic.version = 14 : i64} {
  func.func @k(%arg0: i32, %arg1: i32, %arg2: memref<20480x128xf32, #tpu.memory_space<hbm>>, %arg3: memref<2x16x80x128xi32, #tpu.memory_space<hbm>>, %arg4: memref<2x16x80x128xi32, #tpu.memory_space<hbm>>, %arg5: memref<632x128xf32, #tpu.memory_space<hbm>>, %arg6: memref<2x10240x128xf32, #tpu.memory_space<hbm>>, %arg7: memref<128xi32, #tpu.memory_space<vmem>>, %arg8: memref<128xi32, #tpu.memory_space<vmem>>, %arg9: memref<128xi32, #tpu.memory_space<vmem>>, %arg10: memref<128xi32, #tpu.memory_space<vmem>>, %arg11: memref<128xi32, #tpu.memory_space<vmem>>, %arg12: memref<128xi32, #tpu.memory_space<vmem>>, %arg13: memref<128x128xf32, #tpu.memory_space<vmem>>, %arg14: memref<128x128xf32, #tpu.memory_space<vmem>>, %arg15: memref<128x128xf32, #tpu.memory_space<vmem>>, %arg16: memref<!tpu.dma_semaphore, #tpu.memory_space<semaphore_mem>>, %arg17: memref<!tpu.dma_semaphore, #tpu.memory_space<semaphore_mem>>, %arg18: memref<!tpu.dma_semaphore, #tpu.memory_space<semaphore_mem>>, %arg19: memref<!tpu.dma_semaphore, #tpu.memory_space<semaphore_mem>>, %arg20: memref<!tpu.dma_semaphore, #tpu.memory_space<semaphore_mem>>, %arg21: memref<!tpu.dma_semaphore, #tpu.memory_space<semaphore_mem>>, %arg22: memref<!tpu.dma_semaphore, #tpu.memory_space<semaphore_mem>>, %arg23: memref<!tpu.dma_semaphore, #tpu.memory_space<semaphore_mem>>, %arg24: memref<!tpu.dma_semaphore, #tpu.memory_space<semaphore_mem>>, %arg25: memref<10112x128xf32, #tpu.memory_space<vmem_shared>>) attributes {dimension_semantics = [#tpu.dimension_semantics<core_parallel>, #tpu.dimension_semantics<subcore_parallel>], iteration_bounds = array<i64: 2, 16>, scalar_prefetch = 0 : i64, scratch_operands = 19 : i64, tpu.core_type = #tpu.core_type<sc_vector_subcore>, window_params = [{transform_indices = #map}, {transform_indices = #map1}, {transform_indices = #map1}, {transform_indices = #map}, {transform_indices = #map2}]} {
    %mul3A = arith.constant 632 : i32
    %mul3A_0 = arith.muli %arg1, %mul3A : i32
    "tpu.region"() ({
      %run_scoped3A = tpu.sem_alloc : memref<!tpu.dma_semaphore, #tpu.memory_space<semaphore_mem>>
      %dma_start3A_100 = arith.constant 0 : i32
      %dma_start3A_101 = tpu.memref_slice %arg25[%mul3A_0, %dma_start3A_100] : memref<10112x128xf32, #tpu.memory_space<vmem_shared>> -> memref<632x128xf32, #tpu.memory_space<vmem_shared>>
      tpu.enqueue_dma source(%arg5 : memref<632x128xf32, #tpu.memory_space<hbm>>) target(%dma_start3A_101 : memref<632x128xf32, #tpu.memory_space<vmem_shared>>) target_semaphore(%run_scoped3A : memref<!tpu.dma_semaphore, #tpu.memory_space<semaphore_mem>>)
      %dma_wait3A_102 = arith.constant 0 : i32
      %dma_wait3A_103 = tpu.memref_slice %arg25[%mul3A_0, %dma_wait3A_102] : memref<10112x128xf32, #tpu.memory_space<vmem_shared>> -> memref<632x128xf32, #tpu.memory_space<vmem_shared>>
      tpu.wait_dma2 semaphore(%run_scoped3A : memref<!tpu.dma_semaphore, #tpu.memory_space<semaphore_mem>>) src(%arg5 : memref<632x128xf32, #tpu.memory_space<hbm>>) dst(%dma_wait3A_103 : memref<632x128xf32, #tpu.memory_space<vmem_shared>>)
      tpu.yield
    }) : () -> ()
    %barrier3A = arith.constant 0 : index
    tpu.barrier barrier_id(%barrier3A)
    %dma_start3A = arith.constant 0 : i32
    %dma_start3A_1 = arith.constant 0 : i32
    %dma_start3A_2 = tpu.memref_slice %arg3[%arg0, %arg1, %dma_start3A, %dma_start3A_1] : memref<2x16x80x128xi32, #tpu.memory_space<hbm>> -> memref<1x1x1x128xi32, #tpu.memory_space<hbm>>
    %dma_start3A_3 = tpu.memref_squeeze %dma_start3A_2 : memref<1x1x1x128xi32, #tpu.memory_space<hbm>> -> memref<128xi32, #tpu.memory_space<hbm>>
    %dma_start3A_4 = arith.constant 0 : i32
    %dma_start3A_5 = tpu.memref_slice %arg3[%arg0, %arg1, %dma_start3A, %dma_start3A_4] : memref<2x16x80x128xi32, #tpu.memory_space<hbm>> -> memref<1x1x1x128xi32, #tpu.memory_space<hbm>>
    %dma_start3A_6 = tpu.memref_squeeze %dma_start3A_5 : memref<1x1x1x128xi32, #tpu.memory_space<hbm>> -> memref<128xi32, #tpu.memory_space<hbm>>
    tpu.enqueue_dma source(%dma_start3A_6 : memref<128xi32, #tpu.memory_space<hbm>>) target(%arg7 : memref<128xi32, #tpu.memory_space<vmem>>) target_semaphore(%arg16 : memref<!tpu.dma_semaphore, #tpu.memory_space<semaphore_mem>>)
    %dma_start3A_7 = arith.constant 0 : i32
    %dma_start3A_8 = arith.constant 0 : i32
    %dma_start3A_9 = tpu.memref_slice %arg4[%arg0, %arg1, %dma_start3A_7, %dma_start3A_8] : memref<2x16x80x128xi32, #tpu.memory_space<hbm>> -> memref<1x1x1x128xi32, #tpu.memory_space<hbm>>
    %dma_start3A_10 = tpu.memref_squeeze %dma_start3A_9 : memref<1x1x1x128xi32, #tpu.memory_space<hbm>> -> memref<128xi32, #tpu.memory_space<hbm>>
    %dma_start3A_11 = arith.constant 0 : i32
    %dma_start3A_12 = tpu.memref_slice %arg4[%arg0, %arg1, %dma_start3A_7, %dma_start3A_11] : memref<2x16x80x128xi32, #tpu.memory_space<hbm>> -> memref<1x1x1x128xi32, #tpu.memory_space<hbm>>
    %dma_start3A_13 = tpu.memref_squeeze %dma_start3A_12 : memref<1x1x1x128xi32, #tpu.memory_space<hbm>> -> memref<128xi32, #tpu.memory_space<hbm>>
    tpu.enqueue_dma source(%dma_start3A_13 : memref<128xi32, #tpu.memory_space<hbm>>) target(%arg10 : memref<128xi32, #tpu.memory_space<vmem>>) target_semaphore(%arg19 : memref<!tpu.dma_semaphore, #tpu.memory_space<semaphore_mem>>)
    %dma_start3A_14 = arith.constant 1 : i32
    %dma_start3A_15 = arith.constant 0 : i32
    %dma_start3A_16 = tpu.memref_slice %arg3[%arg0, %arg1, %dma_start3A_14, %dma_start3A_15] : memref<2x16x80x128xi32, #tpu.memory_space<hbm>> -> memref<1x1x1x128xi32, #tpu.memory_space<hbm>>
    %dma_start3A_17 = tpu.memref_squeeze %dma_start3A_16 : memref<1x1x1x128xi32, #tpu.memory_space<hbm>> -> memref<128xi32, #tpu.memory_space<hbm>>
    %dma_start3A_18 = arith.constant 0 : i32
    %dma_start3A_19 = tpu.memref_slice %arg3[%arg0, %arg1, %dma_start3A_14, %dma_start3A_18] : memref<2x16x80x128xi32, #tpu.memory_space<hbm>> -> memref<1x1x1x128xi32, #tpu.memory_space<hbm>>
    %dma_start3A_20 = tpu.memref_squeeze %dma_start3A_19 : memref<1x1x1x128xi32, #tpu.memory_space<hbm>> -> memref<128xi32, #tpu.memory_space<hbm>>
    tpu.enqueue_dma source(%dma_start3A_20 : memref<128xi32, #tpu.memory_space<hbm>>) target(%arg8 : memref<128xi32, #tpu.memory_space<vmem>>) target_semaphore(%arg17 : memref<!tpu.dma_semaphore, #tpu.memory_space<semaphore_mem>>)
    %dma_start3A_21 = arith.constant 1 : i32
    %dma_start3A_22 = arith.constant 0 : i32
    %dma_start3A_23 = tpu.memref_slice %arg4[%arg0, %arg1, %dma_start3A_21, %dma_start3A_22] : memref<2x16x80x128xi32, #tpu.memory_space<hbm>> -> memref<1x1x1x128xi32, #tpu.memory_space<hbm>>
    %dma_start3A_24 = tpu.memref_squeeze %dma_start3A_23 : memref<1x1x1x128xi32, #tpu.memory_space<hbm>> -> memref<128xi32, #tpu.memory_space<hbm>>
    %dma_start3A_25 = arith.constant 0 : i32
    %dma_start3A_26 = tpu.memref_slice %arg4[%arg0, %arg1, %dma_start3A_21, %dma_start3A_25] : memref<2x16x80x128xi32, #tpu.memory_space<hbm>> -> memref<1x1x1x128xi32, #tpu.memory_space<hbm>>
    %dma_start3A_27 = tpu.memref_squeeze %dma_start3A_26 : memref<1x1x1x128xi32, #tpu.memory_space<hbm>> -> memref<128xi32, #tpu.memory_space<hbm>>
    tpu.enqueue_dma source(%dma_start3A_27 : memref<128xi32, #tpu.memory_space<hbm>>) target(%arg11 : memref<128xi32, #tpu.memory_space<vmem>>) target_semaphore(%arg20 : memref<!tpu.dma_semaphore, #tpu.memory_space<semaphore_mem>>)
    %dma_start3A_28 = arith.constant 2 : i32
    %dma_start3A_29 = arith.constant 0 : i32
    %dma_start3A_30 = tpu.memref_slice %arg3[%arg0, %arg1, %dma_start3A_28, %dma_start3A_29] : memref<2x16x80x128xi32, #tpu.memory_space<hbm>> -> memref<1x1x1x128xi32, #tpu.memory_space<hbm>>
    %dma_start3A_31 = tpu.memref_squeeze %dma_start3A_30 : memref<1x1x1x128xi32, #tpu.memory_space<hbm>> -> memref<128xi32, #tpu.memory_space<hbm>>
    %dma_start3A_32 = arith.constant 0 : i32
    %dma_start3A_33 = tpu.memref_slice %arg3[%arg0, %arg1, %dma_start3A_28, %dma_start3A_32] : memref<2x16x80x128xi32, #tpu.memory_space<hbm>> -> memref<1x1x1x128xi32, #tpu.memory_space<hbm>>
    %dma_start3A_34 = tpu.memref_squeeze %dma_start3A_33 : memref<1x1x1x128xi32, #tpu.memory_space<hbm>> -> memref<128xi32, #tpu.memory_space<hbm>>
    tpu.enqueue_dma source(%dma_start3A_34 : memref<128xi32, #tpu.memory_space<hbm>>) target(%arg9 : memref<128xi32, #tpu.memory_space<vmem>>) target_semaphore(%arg18 : memref<!tpu.dma_semaphore, #tpu.memory_space<semaphore_mem>>)
    %dma_start3A_35 = arith.constant 2 : i32
    %dma_start3A_36 = arith.constant 0 : i32
    %dma_start3A_37 = tpu.memref_slice %arg4[%arg0, %arg1, %dma_start3A_35, %dma_start3A_36] : memref<2x16x80x128xi32, #tpu.memory_space<hbm>> -> memref<1x1x1x128xi32, #tpu.memory_space<hbm>>
    %dma_start3A_38 = tpu.memref_squeeze %dma_start3A_37 : memref<1x1x1x128xi32, #tpu.memory_space<hbm>> -> memref<128xi32, #tpu.memory_space<hbm>>
    %dma_start3A_39 = arith.constant 0 : i32
    %dma_start3A_40 = tpu.memref_slice %arg4[%arg0, %arg1, %dma_start3A_35, %dma_start3A_39] : memref<2x16x80x128xi32, #tpu.memory_space<hbm>> -> memref<1x1x1x128xi32, #tpu.memory_space<hbm>>
    %dma_start3A_41 = tpu.memref_squeeze %dma_start3A_40 : memref<1x1x1x128xi32, #tpu.memory_space<hbm>> -> memref<128xi32, #tpu.memory_space<hbm>>
    tpu.enqueue_dma source(%dma_start3A_41 : memref<128xi32, #tpu.memory_space<hbm>>) target(%arg12 : memref<128xi32, #tpu.memory_space<vmem>>) target_semaphore(%arg21 : memref<!tpu.dma_semaphore, #tpu.memory_space<semaphore_mem>>)
    %dma_wait3A = arith.constant 0 : i32
    %dma_wait3A_42 = arith.constant 0 : i32
    %dma_wait3A_43 = tpu.memref_slice %arg3[%arg0, %arg1, %dma_wait3A, %dma_wait3A_42] : memref<2x16x80x128xi32, #tpu.memory_space<hbm>> -> memref<1x1x1x128xi32, #tpu.memory_space<hbm>>
    %dma_wait3A_44 = tpu.memref_squeeze %dma_wait3A_43 : memref<1x1x1x128xi32, #tpu.memory_space<hbm>> -> memref<128xi32, #tpu.memory_space<hbm>>
    %dma_wait3A_45 = arith.constant 0 : i32
    %dma_wait3A_46 = tpu.memref_slice %arg3[%arg0, %arg1, %dma_wait3A, %dma_wait3A_45] : memref<2x16x80x128xi32, #tpu.memory_space<hbm>> -> memref<1x1x1x128xi32, #tpu.memory_space<hbm>>
    %dma_wait3A_47 = tpu.memref_squeeze %dma_wait3A_46 : memref<1x1x1x128xi32, #tpu.memory_space<hbm>> -> memref<128xi32, #tpu.memory_space<hbm>>
    tpu.wait_dma2 semaphore(%arg16 : memref<!tpu.dma_semaphore, #tpu.memory_space<semaphore_mem>>) src(%dma_wait3A_47 : memref<128xi32, #tpu.memory_space<hbm>>) dst(%arg7 : memref<128xi32, #tpu.memory_space<vmem>>)
    %dma_start3A_48 = arith.constant 0 : i32
    %dma_start3A_49 = arith.constant 0 : i32
    %dma_start3A_50 = tpu.memref_slice %arg2[%dma_start3A_48, %dma_start3A_49] : memref<20480x128xf32, #tpu.memory_space<hbm>> -> memref<20480x128xf32, #tpu.memory_space<hbm>>
    tpu.enqueue_indirect_dma source(%dma_start3A_50 : memref<20480x128xf32, #tpu.memory_space<hbm>>) target(%arg13 : memref<128x128xf32, #tpu.memory_space<vmem>>) offsets(%arg7 : memref<128xi32, #tpu.memory_space<vmem>>) semaphore(%arg22 : memref<!tpu.dma_semaphore, #tpu.memory_space<semaphore_mem>>)
    %dma_wait3A_51 = arith.constant 0 : i32
    %dma_wait3A_52 = arith.constant 0 : i32
    %dma_wait3A_53 = tpu.memref_slice %arg3[%arg0, %arg1, %dma_wait3A_51, %dma_wait3A_52] : memref<2x16x80x128xi32, #tpu.memory_space<hbm>> -> memref<1x1x1x128xi32, #tpu.memory_space<hbm>>
    %dma_wait3A_54 = tpu.memref_squeeze %dma_wait3A_53 : memref<1x1x1x128xi32, #tpu.memory_space<hbm>> -> memref<128xi32, #tpu.memory_space<hbm>>
    %dma_wait3A_55 = arith.constant 0 : i32
    %dma_wait3A_56 = tpu.memref_slice %arg3[%arg0, %arg1, %dma_wait3A_51, %dma_wait3A_55] : memref<2x16x80x128xi32, #tpu.memory_space<hbm>> -> memref<1x1x1x128xi32, #tpu.memory_space<hbm>>
    %dma_wait3A_57 = tpu.memref_squeeze %dma_wait3A_56 : memref<1x1x1x128xi32, #tpu.memory_space<hbm>> -> memref<128xi32, #tpu.memory_space<hbm>>
    tpu.wait_dma2 semaphore(%arg17 : memref<!tpu.dma_semaphore, #tpu.memory_space<semaphore_mem>>) src(%dma_wait3A_57 : memref<128xi32, #tpu.memory_space<hbm>>) dst(%arg8 : memref<128xi32, #tpu.memory_space<vmem>>)
    %dma_start3A_58 = arith.constant 0 : i32
    %dma_start3A_59 = arith.constant 0 : i32
    %dma_start3A_60 = tpu.memref_slice %arg2[%dma_start3A_58, %dma_start3A_59] : memref<20480x128xf32, #tpu.memory_space<hbm>> -> memref<20480x128xf32, #tpu.memory_space<hbm>>
    tpu.enqueue_indirect_dma source(%dma_start3A_60 : memref<20480x128xf32, #tpu.memory_space<hbm>>) target(%arg14 : memref<128x128xf32, #tpu.memory_space<vmem>>) offsets(%arg8 : memref<128xi32, #tpu.memory_space<vmem>>) semaphore(%arg23 : memref<!tpu.dma_semaphore, #tpu.memory_space<semaphore_mem>>)
    %dma_wait3A_61 = arith.constant 0 : i32
    %dma_wait3A_62 = arith.constant 0 : i32
    %dma_wait3A_63 = tpu.memref_slice %arg3[%arg0, %arg1, %dma_wait3A_61, %dma_wait3A_62] : memref<2x16x80x128xi32, #tpu.memory_space<hbm>> -> memref<1x1x1x128xi32, #tpu.memory_space<hbm>>
    %dma_wait3A_64 = tpu.memref_squeeze %dma_wait3A_63 : memref<1x1x1x128xi32, #tpu.memory_space<hbm>> -> memref<128xi32, #tpu.memory_space<hbm>>
    %dma_wait3A_65 = arith.constant 0 : i32
    %dma_wait3A_66 = tpu.memref_slice %arg3[%arg0, %arg1, %dma_wait3A_61, %dma_wait3A_65] : memref<2x16x80x128xi32, #tpu.memory_space<hbm>> -> memref<1x1x1x128xi32, #tpu.memory_space<hbm>>
    %dma_wait3A_67 = tpu.memref_squeeze %dma_wait3A_66 : memref<1x1x1x128xi32, #tpu.memory_space<hbm>> -> memref<128xi32, #tpu.memory_space<hbm>>
    tpu.wait_dma2 semaphore(%arg18 : memref<!tpu.dma_semaphore, #tpu.memory_space<semaphore_mem>>) src(%dma_wait3A_67 : memref<128xi32, #tpu.memory_space<hbm>>) dst(%arg9 : memref<128xi32, #tpu.memory_space<vmem>>)
    %dma_start3A_68 = arith.constant 0 : i32
    %dma_start3A_69 = arith.constant 0 : i32
    %dma_start3A_70 = tpu.memref_slice %arg2[%dma_start3A_68, %dma_start3A_69] : memref<20480x128xf32, #tpu.memory_space<hbm>> -> memref<20480x128xf32, #tpu.memory_space<hbm>>
    tpu.enqueue_indirect_dma source(%dma_start3A_70 : memref<20480x128xf32, #tpu.memory_space<hbm>>) target(%arg15 : memref<128x128xf32, #tpu.memory_space<vmem>>) offsets(%arg9 : memref<128xi32, #tpu.memory_space<vmem>>) semaphore(%arg24 : memref<!tpu.dma_semaphore, #tpu.memory_space<semaphore_mem>>)
    %scan3A = arith.constant 0 : i32
    %scan3A_71 = arith.constant 26 : i32
    %scan3A_72 = arith.addi %scan3A, %scan3A_71 : i32
    %scan3A_73 = arith.constant 1 : i32
    scf.for %scan3A_100 = %scan3A to %scan3A_72 step %scan3A_73  : i32 {
      %mul3A_101 = arith.constant 1 : i32
      %mul3A_102 = arith.muli %scan3A_100, %mul3A_101 : i32
      %add3A = arith.constant 0 : i32
      %add3A_103 = arith.addi %add3A, %mul3A_102 : i32
      %mul3A_104 = arith.constant 3 : i32
      %mul3A_105 = arith.muli %add3A_103, %mul3A_104 : i32
      %add3A_106 = arith.constant 0 : i32
      %add3A_107 = arith.addi %mul3A_105, %add3A_106 : i32
      %add3A_108 = arith.constant 3 : i32
      %add3A_109 = arith.addi %add3A_107, %add3A_108 : i32
      %dma_wait3A_110 = arith.constant 0 : i32
      %dma_wait3A_111 = arith.constant 0 : i32
      %dma_wait3A_112 = tpu.memref_slice %arg2[%dma_wait3A_110, %dma_wait3A_111] : memref<20480x128xf32, #tpu.memory_space<hbm>> -> memref<20480x128xf32, #tpu.memory_space<hbm>>
      tpu.wait_indirect_dma semaphore(%arg22 : memref<!tpu.dma_semaphore, #tpu.memory_space<semaphore_mem>>) src(%dma_wait3A_112 : memref<20480x128xf32, #tpu.memory_space<hbm>>) dst(%arg13 : memref<128x128xf32, #tpu.memory_space<vmem>>)
      %lt3A = arith.constant 80 : i32
      %lt3A_113 = arith.cmpi slt, %add3A_109, %lt3A : i32
      %convert_element_type3A = arith.extui %lt3A_113 : i1 to i32
      %cond3A = arith.constant 0 : i32
      %cond3A_114 = arith.cmpi ne, %convert_element_type3A, %cond3A : i32
      scf.if %cond3A_114 {
        %dma_start3A_179 = arith.constant 0 : i32
        %dma_start3A_180 = tpu.memref_slice %arg3[%arg0, %arg1, %add3A_109, %dma_start3A_179] : memref<2x16x80x128xi32, #tpu.memory_space<hbm>> -> memref<1x1x1x128xi32, #tpu.memory_space<hbm>>
        %dma_start3A_181 = tpu.memref_squeeze %dma_start3A_180 : memref<1x1x1x128xi32, #tpu.memory_space<hbm>> -> memref<128xi32, #tpu.memory_space<hbm>>
        %dma_start3A_182 = arith.constant 0 : i32
        %dma_start3A_183 = tpu.memref_slice %arg3[%arg0, %arg1, %add3A_109, %dma_start3A_182] : memref<2x16x80x128xi32, #tpu.memory_space<hbm>> -> memref<1x1x1x128xi32, #tpu.memory_space<hbm>>
        %dma_start3A_184 = tpu.memref_squeeze %dma_start3A_183 : memref<1x1x1x128xi32, #tpu.memory_space<hbm>> -> memref<128xi32, #tpu.memory_space<hbm>>
        tpu.enqueue_dma source(%dma_start3A_184 : memref<128xi32, #tpu.memory_space<hbm>>) target(%arg7 : memref<128xi32, #tpu.memory_space<vmem>>) target_semaphore(%arg16 : memref<!tpu.dma_semaphore, #tpu.memory_space<semaphore_mem>>)
      } else {
      }
      %dma_wait3A_115 = arith.constant 0 : i32
      %dma_wait3A_116 = arith.constant 0 : i32
      %dma_wait3A_117 = tpu.memref_slice %arg4[%arg0, %arg1, %dma_wait3A_115, %dma_wait3A_116] : memref<2x16x80x128xi32, #tpu.memory_space<hbm>> -> memref<1x1x1x128xi32, #tpu.memory_space<hbm>>
      %dma_wait3A_118 = tpu.memref_squeeze %dma_wait3A_117 : memref<1x1x1x128xi32, #tpu.memory_space<hbm>> -> memref<128xi32, #tpu.memory_space<hbm>>
      %dma_wait3A_119 = arith.constant 0 : i32
      %dma_wait3A_120 = tpu.memref_slice %arg4[%arg0, %arg1, %dma_wait3A_115, %dma_wait3A_119] : memref<2x16x80x128xi32, #tpu.memory_space<hbm>> -> memref<1x1x1x128xi32, #tpu.memory_space<hbm>>
      %dma_wait3A_121 = tpu.memref_squeeze %dma_wait3A_120 : memref<1x1x1x128xi32, #tpu.memory_space<hbm>> -> memref<128xi32, #tpu.memory_space<hbm>>
      tpu.wait_dma2 semaphore(%arg19 : memref<!tpu.dma_semaphore, #tpu.memory_space<semaphore_mem>>) src(%dma_wait3A_121 : memref<128xi32, #tpu.memory_space<hbm>>) dst(%arg10 : memref<128xi32, #tpu.memory_space<vmem>>)
      "tpu.region"() ({
        %run_scoped3A = tpu.sem_alloc : memref<!tpu.dma_semaphore, #tpu.memory_space<semaphore_mem>>
        %dma_start3A_179 = arith.constant 0 : i32
        %dma_start3A_180 = arith.constant 0 : i32
        %dma_start3A_181 = tpu.memref_slice %arg25[%dma_start3A_179, %dma_start3A_180] : memref<10112x128xf32, #tpu.memory_space<vmem_shared>> -> memref<10112x128xf32, #tpu.memory_space<vmem_shared>>
        tpu.enqueue_indirect_dma source(%arg13 : memref<128x128xf32, #tpu.memory_space<vmem>>) target(%dma_start3A_181 : memref<10112x128xf32, #tpu.memory_space<vmem_shared>>) offsets(%arg10 : memref<128xi32, #tpu.memory_space<vmem>>) semaphore(%run_scoped3A : memref<!tpu.dma_semaphore, #tpu.memory_space<semaphore_mem>>) {add = true}
        %dma_wait3A_182 = arith.constant 0 : i32
        %dma_wait3A_183 = arith.constant 0 : i32
        %dma_wait3A_184 = tpu.memref_slice %arg25[%dma_wait3A_182, %dma_wait3A_183] : memref<10112x128xf32, #tpu.memory_space<vmem_shared>> -> memref<10112x128xf32, #tpu.memory_space<vmem_shared>>
        tpu.wait_indirect_dma semaphore(%run_scoped3A : memref<!tpu.dma_semaphore, #tpu.memory_space<semaphore_mem>>) src(%arg13 : memref<128x128xf32, #tpu.memory_space<vmem>>) dst(%dma_wait3A_184 : memref<10112x128xf32, #tpu.memory_space<vmem_shared>>)
        tpu.yield
      }) : () -> ()
      %lt3A_122 = arith.constant 80 : i32
      %lt3A_123 = arith.cmpi slt, %add3A_109, %lt3A_122 : i32
      %convert_element_type3A_124 = arith.extui %lt3A_123 : i1 to i32
      %cond3A_125 = arith.constant 0 : i32
      %cond3A_126 = arith.cmpi ne, %convert_element_type3A_124, %cond3A_125 : i32
      scf.if %cond3A_126 {
        %dma_start3A_179 = arith.constant 0 : i32
        %dma_start3A_180 = tpu.memref_slice %arg4[%arg0, %arg1, %add3A_109, %dma_start3A_179] : memref<2x16x80x128xi32, #tpu.memory_space<hbm>> -> memref<1x1x1x128xi32, #tpu.memory_space<hbm>>
        %dma_start3A_181 = tpu.memref_squeeze %dma_start3A_180 : memref<1x1x1x128xi32, #tpu.memory_space<hbm>> -> memref<128xi32, #tpu.memory_space<hbm>>
        %dma_start3A_182 = arith.constant 0 : i32
        %dma_start3A_183 = tpu.memref_slice %arg4[%arg0, %arg1, %add3A_109, %dma_start3A_182] : memref<2x16x80x128xi32, #tpu.memory_space<hbm>> -> memref<1x1x1x128xi32, #tpu.memory_space<hbm>>
        %dma_start3A_184 = tpu.memref_squeeze %dma_start3A_183 : memref<1x1x1x128xi32, #tpu.memory_space<hbm>> -> memref<128xi32, #tpu.memory_space<hbm>>
        tpu.enqueue_dma source(%dma_start3A_184 : memref<128xi32, #tpu.memory_space<hbm>>) target(%arg10 : memref<128xi32, #tpu.memory_space<vmem>>) target_semaphore(%arg19 : memref<!tpu.dma_semaphore, #tpu.memory_space<semaphore_mem>>)
        %dma_wait3A_185 = arith.constant 0 : i32
        %dma_wait3A_186 = arith.constant 0 : i32
        %dma_wait3A_187 = tpu.memref_slice %arg3[%arg0, %arg1, %dma_wait3A_185, %dma_wait3A_186] : memref<2x16x80x128xi32, #tpu.memory_space<hbm>> -> memref<1x1x1x128xi32, #tpu.memory_space<hbm>>
        %dma_wait3A_188 = tpu.memref_squeeze %dma_wait3A_187 : memref<1x1x1x128xi32, #tpu.memory_space<hbm>> -> memref<128xi32, #tpu.memory_space<hbm>>
        %dma_wait3A_189 = arith.constant 0 : i32
        %dma_wait3A_190 = tpu.memref_slice %arg3[%arg0, %arg1, %dma_wait3A_185, %dma_wait3A_189] : memref<2x16x80x128xi32, #tpu.memory_space<hbm>> -> memref<1x1x1x128xi32, #tpu.memory_space<hbm>>
        %dma_wait3A_191 = tpu.memref_squeeze %dma_wait3A_190 : memref<1x1x1x128xi32, #tpu.memory_space<hbm>> -> memref<128xi32, #tpu.memory_space<hbm>>
        tpu.wait_dma2 semaphore(%arg16 : memref<!tpu.dma_semaphore, #tpu.memory_space<semaphore_mem>>) src(%dma_wait3A_191 : memref<128xi32, #tpu.memory_space<hbm>>) dst(%arg7 : memref<128xi32, #tpu.memory_space<vmem>>)
        %dma_start3A_192 = arith.constant 0 : i32
        %dma_start3A_193 = arith.constant 0 : i32
        %dma_start3A_194 = tpu.memref_slice %arg2[%dma_start3A_192, %dma_start3A_193] : memref<20480x128xf32, #tpu.memory_space<hbm>> -> memref<20480x128xf32, #tpu.memory_space<hbm>>
        tpu.enqueue_indirect_dma source(%dma_start3A_194 : memref<20480x128xf32, #tpu.memory_space<hbm>>) target(%arg13 : memref<128x128xf32, #tpu.memory_space<vmem>>) offsets(%arg7 : memref<128xi32, #tpu.memory_space<vmem>>) semaphore(%arg22 : memref<!tpu.dma_semaphore, #tpu.memory_space<semaphore_mem>>)
      } else {
      }
      %mul3A_127 = arith.constant 3 : i32
      %mul3A_128 = arith.muli %add3A_103, %mul3A_127 : i32
      %add3A_129 = arith.constant 1 : i32
      %add3A_130 = arith.addi %mul3A_128, %add3A_129 : i32
      %add3A_131 = arith.constant 3 : i32
      %add3A_132 = arith.addi %add3A_130, %add3A_131 : i32
      %dma_wait3A_133 = arith.constant 0 : i32
      %dma_wait3A_134 = arith.constant 0 : i32
      %dma_wait3A_135 = tpu.memref_slice %arg2[%dma_wait3A_133, %dma_wait3A_134] : memref<20480x128xf32, #tpu.memory_space<hbm>> -> memref<20480x128xf32, #tpu.memory_space<hbm>>
      tpu.wait_indirect_dma semaphore(%arg23 : memref<!tpu.dma_semaphore, #tpu.memory_space<semaphore_mem>>) src(%dma_wait3A_135 : memref<20480x128xf32, #tpu.memory_space<hbm>>) dst(%arg14 : memref<128x128xf32, #tpu.memory_space<vmem>>)
      %lt3A_136 = arith.constant 80 : i32
      %lt3A_137 = arith.cmpi slt, %add3A_132, %lt3A_136 : i32
      %convert_element_type3A_138 = arith.extui %lt3A_137 : i1 to i32
      %cond3A_139 = arith.constant 0 : i32
      %cond3A_140 = arith.cmpi ne, %convert_element_type3A_138, %cond3A_139 : i32
      scf.if %cond3A_140 {
        %dma_start3A_179 = arith.constant 0 : i32
        %dma_start3A_180 = tpu.memref_slice %arg3[%arg0, %arg1, %add3A_132, %dma_start3A_179] : memref<2x16x80x128xi32, #tpu.memory_space<hbm>> -> memref<1x1x1x128xi32, #tpu.memory_space<hbm>>
        %dma_start3A_181 = tpu.memref_squeeze %dma_start3A_180 : memref<1x1x1x128xi32, #tpu.memory_space<hbm>> -> memref<128xi32, #tpu.memory_space<hbm>>
        %dma_start3A_182 = arith.constant 0 : i32
        %dma_start3A_183 = tpu.memref_slice %arg3[%arg0, %arg1, %add3A_132, %dma_start3A_182] : memref<2x16x80x128xi32, #tpu.memory_space<hbm>> -> memref<1x1x1x128xi32, #tpu.memory_space<hbm>>
        %dma_start3A_184 = tpu.memref_squeeze %dma_start3A_183 : memref<1x1x1x128xi32, #tpu.memory_space<hbm>> -> memref<128xi32, #tpu.memory_space<hbm>>
        tpu.enqueue_dma source(%dma_start3A_184 : memref<128xi32, #tpu.memory_space<hbm>>) target(%arg8 : memref<128xi32, #tpu.memory_space<vmem>>) target_semaphore(%arg17 : memref<!tpu.dma_semaphore, #tpu.memory_space<semaphore_mem>>)
      } else {
      }
      %dma_wait3A_141 = arith.constant 0 : i32
      %dma_wait3A_142 = arith.constant 0 : i32
      %dma_wait3A_143 = tpu.memref_slice %arg4[%arg0, %arg1, %dma_wait3A_141, %dma_wait3A_142] : memref<2x16x80x128xi32, #tpu.memory_space<hbm>> -> memref<1x1x1x128xi32, #tpu.memory_space<hbm>>
      %dma_wait3A_144 = tpu.memref_squeeze %dma_wait3A_143 : memref<1x1x1x128xi32, #tpu.memory_space<hbm>> -> memref<128xi32, #tpu.memory_space<hbm>>
      %dma_wait3A_145 = arith.constant 0 : i32
      %dma_wait3A_146 = tpu.memref_slice %arg4[%arg0, %arg1, %dma_wait3A_141, %dma_wait3A_145] : memref<2x16x80x128xi32, #tpu.memory_space<hbm>> -> memref<1x1x1x128xi32, #tpu.memory_space<hbm>>
      %dma_wait3A_147 = tpu.memref_squeeze %dma_wait3A_146 : memref<1x1x1x128xi32, #tpu.memory_space<hbm>> -> memref<128xi32, #tpu.memory_space<hbm>>
      tpu.wait_dma2 semaphore(%arg20 : memref<!tpu.dma_semaphore, #tpu.memory_space<semaphore_mem>>) src(%dma_wait3A_147 : memref<128xi32, #tpu.memory_space<hbm>>) dst(%arg11 : memref<128xi32, #tpu.memory_space<vmem>>)
      "tpu.region"() ({
        %run_scoped3A = tpu.sem_alloc : memref<!tpu.dma_semaphore, #tpu.memory_space<semaphore_mem>>
        %dma_start3A_179 = arith.constant 0 : i32
        %dma_start3A_180 = arith.constant 0 : i32
        %dma_start3A_181 = tpu.memref_slice %arg25[%dma_start3A_179, %dma_start3A_180] : memref<10112x128xf32, #tpu.memory_space<vmem_shared>> -> memref<10112x128xf32, #tpu.memory_space<vmem_shared>>
        tpu.enqueue_indirect_dma source(%arg14 : memref<128x128xf32, #tpu.memory_space<vmem>>) target(%dma_start3A_181 : memref<10112x128xf32, #tpu.memory_space<vmem_shared>>) offsets(%arg11 : memref<128xi32, #tpu.memory_space<vmem>>) semaphore(%run_scoped3A : memref<!tpu.dma_semaphore, #tpu.memory_space<semaphore_mem>>) {add = true}
        %dma_wait3A_182 = arith.constant 0 : i32
        %dma_wait3A_183 = arith.constant 0 : i32
        %dma_wait3A_184 = tpu.memref_slice %arg25[%dma_wait3A_182, %dma_wait3A_183] : memref<10112x128xf32, #tpu.memory_space<vmem_shared>> -> memref<10112x128xf32, #tpu.memory_space<vmem_shared>>
        tpu.wait_indirect_dma semaphore(%run_scoped3A : memref<!tpu.dma_semaphore, #tpu.memory_space<semaphore_mem>>) src(%arg14 : memref<128x128xf32, #tpu.memory_space<vmem>>) dst(%dma_wait3A_184 : memref<10112x128xf32, #tpu.memory_space<vmem_shared>>)
        tpu.yield
      }) : () -> ()
      %lt3A_148 = arith.constant 80 : i32
      %lt3A_149 = arith.cmpi slt, %add3A_132, %lt3A_148 : i32
      %convert_element_type3A_150 = arith.extui %lt3A_149 : i1 to i32
      %cond3A_151 = arith.constant 0 : i32
      %cond3A_152 = arith.cmpi ne, %convert_element_type3A_150, %cond3A_151 : i32
      scf.if %cond3A_152 {
        %dma_start3A_179 = arith.constant 0 : i32
        %dma_start3A_180 = tpu.memref_slice %arg4[%arg0, %arg1, %add3A_132, %dma_start3A_179] : memref<2x16x80x128xi32, #tpu.memory_space<hbm>> -> memref<1x1x1x128xi32, #tpu.memory_space<hbm>>
        %dma_start3A_181 = tpu.memref_squeeze %dma_start3A_180 : memref<1x1x1x128xi32, #tpu.memory_space<hbm>> -> memref<128xi32, #tpu.memory_space<hbm>>
        %dma_start3A_182 = arith.constant 0 : i32
        %dma_start3A_183 = tpu.memref_slice %arg4[%arg0, %arg1, %add3A_132, %dma_start3A_182] : memref<2x16x80x128xi32, #tpu.memory_space<hbm>> -> memref<1x1x1x128xi32, #tpu.memory_space<hbm>>
        %dma_start3A_184 = tpu.memref_squeeze %dma_start3A_183 : memref<1x1x1x128xi32, #tpu.memory_space<hbm>> -> memref<128xi32, #tpu.memory_space<hbm>>
        tpu.enqueue_dma source(%dma_start3A_184 : memref<128xi32, #tpu.memory_space<hbm>>) target(%arg11 : memref<128xi32, #tpu.memory_space<vmem>>) target_semaphore(%arg20 : memref<!tpu.dma_semaphore, #tpu.memory_space<semaphore_mem>>)
        %dma_wait3A_185 = arith.constant 0 : i32
        %dma_wait3A_186 = arith.constant 0 : i32
        %dma_wait3A_187 = tpu.memref_slice %arg3[%arg0, %arg1, %dma_wait3A_185, %dma_wait3A_186] : memref<2x16x80x128xi32, #tpu.memory_space<hbm>> -> memref<1x1x1x128xi32, #tpu.memory_space<hbm>>
        %dma_wait3A_188 = tpu.memref_squeeze %dma_wait3A_187 : memref<1x1x1x128xi32, #tpu.memory_space<hbm>> -> memref<128xi32, #tpu.memory_space<hbm>>
        %dma_wait3A_189 = arith.constant 0 : i32
        %dma_wait3A_190 = tpu.memref_slice %arg3[%arg0, %arg1, %dma_wait3A_185, %dma_wait3A_189] : memref<2x16x80x128xi32, #tpu.memory_space<hbm>> -> memref<1x1x1x128xi32, #tpu.memory_space<hbm>>
        %dma_wait3A_191 = tpu.memref_squeeze %dma_wait3A_190 : memref<1x1x1x128xi32, #tpu.memory_space<hbm>> -> memref<128xi32, #tpu.memory_space<hbm>>
        tpu.wait_dma2 semaphore(%arg17 : memref<!tpu.dma_semaphore, #tpu.memory_space<semaphore_mem>>) src(%dma_wait3A_191 : memref<128xi32, #tpu.memory_space<hbm>>) dst(%arg8 : memref<128xi32, #tpu.memory_space<vmem>>)
        %dma_start3A_192 = arith.constant 0 : i32
        %dma_start3A_193 = arith.constant 0 : i32
        %dma_start3A_194 = tpu.memref_slice %arg2[%dma_start3A_192, %dma_start3A_193] : memref<20480x128xf32, #tpu.memory_space<hbm>> -> memref<20480x128xf32, #tpu.memory_space<hbm>>
        tpu.enqueue_indirect_dma source(%dma_start3A_194 : memref<20480x128xf32, #tpu.memory_space<hbm>>) target(%arg14 : memref<128x128xf32, #tpu.memory_space<vmem>>) offsets(%arg8 : memref<128xi32, #tpu.memory_space<vmem>>) semaphore(%arg23 : memref<!tpu.dma_semaphore, #tpu.memory_space<semaphore_mem>>)
      } else {
      }
      %mul3A_153 = arith.constant 3 : i32
      %mul3A_154 = arith.muli %add3A_103, %mul3A_153 : i32
      %add3A_155 = arith.constant 2 : i32
      %add3A_156 = arith.addi %mul3A_154, %add3A_155 : i32
      %add3A_157 = arith.constant 3 : i32
      %add3A_158 = arith.addi %add3A_156, %add3A_157 : i32
      %dma_wait3A_159 = arith.constant 0 : i32
      %dma_wait3A_160 = arith.constant 0 : i32
      %dma_wait3A_161 = tpu.memref_slice %arg2[%dma_wait3A_159, %dma_wait3A_160] : memref<20480x128xf32, #tpu.memory_space<hbm>> -> memref<20480x128xf32, #tpu.memory_space<hbm>>
      tpu.wait_indirect_dma semaphore(%arg24 : memref<!tpu.dma_semaphore, #tpu.memory_space<semaphore_mem>>) src(%dma_wait3A_161 : memref<20480x128xf32, #tpu.memory_space<hbm>>) dst(%arg15 : memref<128x128xf32, #tpu.memory_space<vmem>>)
      %lt3A_162 = arith.constant 80 : i32
      %lt3A_163 = arith.cmpi slt, %add3A_158, %lt3A_162 : i32
      %convert_element_type3A_164 = arith.extui %lt3A_163 : i1 to i32
      %cond3A_165 = arith.constant 0 : i32
      %cond3A_166 = arith.cmpi ne, %convert_element_type3A_164, %cond3A_165 : i32
      scf.if %cond3A_166 {
        %dma_start3A_179 = arith.constant 0 : i32
        %dma_start3A_180 = tpu.memref_slice %arg3[%arg0, %arg1, %add3A_158, %dma_start3A_179] : memref<2x16x80x128xi32, #tpu.memory_space<hbm>> -> memref<1x1x1x128xi32, #tpu.memory_space<hbm>>
        %dma_start3A_181 = tpu.memref_squeeze %dma_start3A_180 : memref<1x1x1x128xi32, #tpu.memory_space<hbm>> -> memref<128xi32, #tpu.memory_space<hbm>>
        %dma_start3A_182 = arith.constant 0 : i32
        %dma_start3A_183 = tpu.memref_slice %arg3[%arg0, %arg1, %add3A_158, %dma_start3A_182] : memref<2x16x80x128xi32, #tpu.memory_space<hbm>> -> memref<1x1x1x128xi32, #tpu.memory_space<hbm>>
        %dma_start3A_184 = tpu.memref_squeeze %dma_start3A_183 : memref<1x1x1x128xi32, #tpu.memory_space<hbm>> -> memref<128xi32, #tpu.memory_space<hbm>>
        tpu.enqueue_dma source(%dma_start3A_184 : memref<128xi32, #tpu.memory_space<hbm>>) target(%arg9 : memref<128xi32, #tpu.memory_space<vmem>>) target_semaphore(%arg18 : memref<!tpu.dma_semaphore, #tpu.memory_space<semaphore_mem>>)
      } else {
      }
      %dma_wait3A_167 = arith.constant 0 : i32
      %dma_wait3A_168 = arith.constant 0 : i32
      %dma_wait3A_169 = tpu.memref_slice %arg4[%arg0, %arg1, %dma_wait3A_167, %dma_wait3A_168] : memref<2x16x80x128xi32, #tpu.memory_space<hbm>> -> memref<1x1x1x128xi32, #tpu.memory_space<hbm>>
      %dma_wait3A_170 = tpu.memref_squeeze %dma_wait3A_169 : memref<1x1x1x128xi32, #tpu.memory_space<hbm>> -> memref<128xi32, #tpu.memory_space<hbm>>
      %dma_wait3A_171 = arith.constant 0 : i32
      %dma_wait3A_172 = tpu.memref_slice %arg4[%arg0, %arg1, %dma_wait3A_167, %dma_wait3A_171] : memref<2x16x80x128xi32, #tpu.memory_space<hbm>> -> memref<1x1x1x128xi32, #tpu.memory_space<hbm>>
      %dma_wait3A_173 = tpu.memref_squeeze %dma_wait3A_172 : memref<1x1x1x128xi32, #tpu.memory_space<hbm>> -> memref<128xi32, #tpu.memory_space<hbm>>
      tpu.wait_dma2 semaphore(%arg21 : memref<!tpu.dma_semaphore, #tpu.memory_space<semaphore_mem>>) src(%dma_wait3A_173 : memref<128xi32, #tpu.memory_space<hbm>>) dst(%arg12 : memref<128xi32, #tpu.memory_space<vmem>>)
      "tpu.region"() ({
        %run_scoped3A = tpu.sem_alloc : memref<!tpu.dma_semaphore, #tpu.memory_space<semaphore_mem>>
        %dma_start3A_179 = arith.constant 0 : i32
        %dma_start3A_180 = arith.constant 0 : i32
        %dma_start3A_181 = tpu.memref_slice %arg25[%dma_start3A_179, %dma_start3A_180] : memref<10112x128xf32, #tpu.memory_space<vmem_shared>> -> memref<10112x128xf32, #tpu.memory_space<vmem_shared>>
        tpu.enqueue_indirect_dma source(%arg15 : memref<128x128xf32, #tpu.memory_space<vmem>>) target(%dma_start3A_181 : memref<10112x128xf32, #tpu.memory_space<vmem_shared>>) offsets(%arg12 : memref<128xi32, #tpu.memory_space<vmem>>) semaphore(%run_scoped3A : memref<!tpu.dma_semaphore, #tpu.memory_space<semaphore_mem>>) {add = true}
        %dma_wait3A_182 = arith.constant 0 : i32
        %dma_wait3A_183 = arith.constant 0 : i32
        %dma_wait3A_184 = tpu.memref_slice %arg25[%dma_wait3A_182, %dma_wait3A_183] : memref<10112x128xf32, #tpu.memory_space<vmem_shared>> -> memref<10112x128xf32, #tpu.memory_space<vmem_shared>>
        tpu.wait_indirect_dma semaphore(%run_scoped3A : memref<!tpu.dma_semaphore, #tpu.memory_space<semaphore_mem>>) src(%arg15 : memref<128x128xf32, #tpu.memory_space<vmem>>) dst(%dma_wait3A_184 : memref<10112x128xf32, #tpu.memory_space<vmem_shared>>)
        tpu.yield
      }) : () -> ()
      %lt3A_174 = arith.constant 80 : i32
      %lt3A_175 = arith.cmpi slt, %add3A_158, %lt3A_174 : i32
      %convert_element_type3A_176 = arith.extui %lt3A_175 : i1 to i32
      %cond3A_177 = arith.constant 0 : i32
      %cond3A_178 = arith.cmpi ne, %convert_element_type3A_176, %cond3A_177 : i32
      scf.if %cond3A_178 {
        %dma_start3A_179 = arith.constant 0 : i32
        %dma_start3A_180 = tpu.memref_slice %arg4[%arg0, %arg1, %add3A_158, %dma_start3A_179] : memref<2x16x80x128xi32, #tpu.memory_space<hbm>> -> memref<1x1x1x128xi32, #tpu.memory_space<hbm>>
        %dma_start3A_181 = tpu.memref_squeeze %dma_start3A_180 : memref<1x1x1x128xi32, #tpu.memory_space<hbm>> -> memref<128xi32, #tpu.memory_space<hbm>>
        %dma_start3A_182 = arith.constant 0 : i32
        %dma_start3A_183 = tpu.memref_slice %arg4[%arg0, %arg1, %add3A_158, %dma_start3A_182] : memref<2x16x80x128xi32, #tpu.memory_space<hbm>> -> memref<1x1x1x128xi32, #tpu.memory_space<hbm>>
        %dma_start3A_184 = tpu.memref_squeeze %dma_start3A_183 : memref<1x1x1x128xi32, #tpu.memory_space<hbm>> -> memref<128xi32, #tpu.memory_space<hbm>>
        tpu.enqueue_dma source(%dma_start3A_184 : memref<128xi32, #tpu.memory_space<hbm>>) target(%arg12 : memref<128xi32, #tpu.memory_space<vmem>>) target_semaphore(%arg21 : memref<!tpu.dma_semaphore, #tpu.memory_space<semaphore_mem>>)
        %dma_wait3A_185 = arith.constant 0 : i32
        %dma_wait3A_186 = arith.constant 0 : i32
        %dma_wait3A_187 = tpu.memref_slice %arg3[%arg0, %arg1, %dma_wait3A_185, %dma_wait3A_186] : memref<2x16x80x128xi32, #tpu.memory_space<hbm>> -> memref<1x1x1x128xi32, #tpu.memory_space<hbm>>
        %dma_wait3A_188 = tpu.memref_squeeze %dma_wait3A_187 : memref<1x1x1x128xi32, #tpu.memory_space<hbm>> -> memref<128xi32, #tpu.memory_space<hbm>>
        %dma_wait3A_189 = arith.constant 0 : i32
        %dma_wait3A_190 = tpu.memref_slice %arg3[%arg0, %arg1, %dma_wait3A_185, %dma_wait3A_189] : memref<2x16x80x128xi32, #tpu.memory_space<hbm>> -> memref<1x1x1x128xi32, #tpu.memory_space<hbm>>
        %dma_wait3A_191 = tpu.memref_squeeze %dma_wait3A_190 : memref<1x1x1x128xi32, #tpu.memory_space<hbm>> -> memref<128xi32, #tpu.memory_space<hbm>>
        tpu.wait_dma2 semaphore(%arg18 : memref<!tpu.dma_semaphore, #tpu.memory_space<semaphore_mem>>) src(%dma_wait3A_191 : memref<128xi32, #tpu.memory_space<hbm>>) dst(%arg9 : memref<128xi32, #tpu.memory_space<vmem>>)
        %dma_start3A_192 = arith.constant 0 : i32
        %dma_start3A_193 = arith.constant 0 : i32
        %dma_start3A_194 = tpu.memref_slice %arg2[%dma_start3A_192, %dma_start3A_193] : memref<20480x128xf32, #tpu.memory_space<hbm>> -> memref<20480x128xf32, #tpu.memory_space<hbm>>
        tpu.enqueue_indirect_dma source(%dma_start3A_194 : memref<20480x128xf32, #tpu.memory_space<hbm>>) target(%arg15 : memref<128x128xf32, #tpu.memory_space<vmem>>) offsets(%arg9 : memref<128xi32, #tpu.memory_space<vmem>>) semaphore(%arg24 : memref<!tpu.dma_semaphore, #tpu.memory_space<semaphore_mem>>)
      } else {
      }
    }
    %scan3A_74 = arith.constant 26 : i32
    %dma_wait3A_75 = arith.constant 0 : i32
    %dma_wait3A_76 = arith.constant 0 : i32
    %dma_wait3A_77 = tpu.memref_slice %arg2[%dma_wait3A_75, %dma_wait3A_76] : memref<20480x128xf32, #tpu.memory_space<hbm>> -> memref<20480x128xf32, #tpu.memory_space<hbm>>
    tpu.wait_indirect_dma semaphore(%arg22 : memref<!tpu.dma_semaphore, #tpu.memory_space<semaphore_mem>>) src(%dma_wait3A_77 : memref<20480x128xf32, #tpu.memory_space<hbm>>) dst(%arg13 : memref<128x128xf32, #tpu.memory_space<vmem>>)
    %dma_wait3A_78 = arith.constant 0 : i32
    %dma_wait3A_79 = arith.constant 0 : i32
    %dma_wait3A_80 = tpu.memref_slice %arg4[%arg0, %arg1, %dma_wait3A_78, %dma_wait3A_79] : memref<2x16x80x128xi32, #tpu.memory_space<hbm>> -> memref<1x1x1x128xi32, #tpu.memory_space<hbm>>
    %dma_wait3A_81 = tpu.memref_squeeze %dma_wait3A_80 : memref<1x1x1x128xi32, #tpu.memory_space<hbm>> -> memref<128xi32, #tpu.memory_space<hbm>>
    %dma_wait3A_82 = arith.constant 0 : i32
    %dma_wait3A_83 = tpu.memref_slice %arg4[%arg0, %arg1, %dma_wait3A_78, %dma_wait3A_82] : memref<2x16x80x128xi32, #tpu.memory_space<hbm>> -> memref<1x1x1x128xi32, #tpu.memory_space<hbm>>
    %dma_wait3A_84 = tpu.memref_squeeze %dma_wait3A_83 : memref<1x1x1x128xi32, #tpu.memory_space<hbm>> -> memref<128xi32, #tpu.memory_space<hbm>>
    tpu.wait_dma2 semaphore(%arg19 : memref<!tpu.dma_semaphore, #tpu.memory_space<semaphore_mem>>) src(%dma_wait3A_84 : memref<128xi32, #tpu.memory_space<hbm>>) dst(%arg10 : memref<128xi32, #tpu.memory_space<vmem>>)
    "tpu.region"() ({
      %run_scoped3A = tpu.sem_alloc : memref<!tpu.dma_semaphore, #tpu.memory_space<semaphore_mem>>
      %dma_start3A_100 = arith.constant 0 : i32
      %dma_start3A_101 = arith.constant 0 : i32
      %dma_start3A_102 = tpu.memref_slice %arg25[%dma_start3A_100, %dma_start3A_101] : memref<10112x128xf32, #tpu.memory_space<vmem_shared>> -> memref<10112x128xf32, #tpu.memory_space<vmem_shared>>
      tpu.enqueue_indirect_dma source(%arg13 : memref<128x128xf32, #tpu.memory_space<vmem>>) target(%dma_start3A_102 : memref<10112x128xf32, #tpu.memory_space<vmem_shared>>) offsets(%arg10 : memref<128xi32, #tpu.memory_space<vmem>>) semaphore(%run_scoped3A : memref<!tpu.dma_semaphore, #tpu.memory_space<semaphore_mem>>) {add = true}
      %dma_wait3A_103 = arith.constant 0 : i32
      %dma_wait3A_104 = arith.constant 0 : i32
      %dma_wait3A_105 = tpu.memref_slice %arg25[%dma_wait3A_103, %dma_wait3A_104] : memref<10112x128xf32, #tpu.memory_space<vmem_shared>> -> memref<10112x128xf32, #tpu.memory_space<vmem_shared>>
      tpu.wait_indirect_dma semaphore(%run_scoped3A : memref<!tpu.dma_semaphore, #tpu.memory_space<semaphore_mem>>) src(%arg13 : memref<128x128xf32, #tpu.memory_space<vmem>>) dst(%dma_wait3A_105 : memref<10112x128xf32, #tpu.memory_space<vmem_shared>>)
      tpu.yield
    }) : () -> ()
    %dma_wait3A_85 = arith.constant 0 : i32
    %dma_wait3A_86 = arith.constant 0 : i32
    %dma_wait3A_87 = tpu.memref_slice %arg2[%dma_wait3A_85, %dma_wait3A_86] : memref<20480x128xf32, #tpu.memory_space<hbm>> -> memref<20480x128xf32, #tpu.memory_space<hbm>>
    tpu.wait_indirect_dma semaphore(%arg23 : memref<!tpu.dma_semaphore, #tpu.memory_space<semaphore_mem>>) src(%dma_wait3A_87 : memref<20480x128xf32, #tpu.memory_space<hbm>>) dst(%arg14 : memref<128x128xf32, #tpu.memory_space<vmem>>)
    %dma_wait3A_88 = arith.constant 0 : i32
    %dma_wait3A_89 = arith.constant 0 : i32
    %dma_wait3A_90 = tpu.memref_slice %arg4[%arg0, %arg1, %dma_wait3A_88, %dma_wait3A_89] : memref<2x16x80x128xi32, #tpu.memory_space<hbm>> -> memref<1x1x1x128xi32, #tpu.memory_space<hbm>>
    %dma_wait3A_91 = tpu.memref_squeeze %dma_wait3A_90 : memref<1x1x1x128xi32, #tpu.memory_space<hbm>> -> memref<128xi32, #tpu.memory_space<hbm>>
    %dma_wait3A_92 = arith.constant 0 : i32
    %dma_wait3A_93 = tpu.memref_slice %arg4[%arg0, %arg1, %dma_wait3A_88, %dma_wait3A_92] : memref<2x16x80x128xi32, #tpu.memory_space<hbm>> -> memref<1x1x1x128xi32, #tpu.memory_space<hbm>>
    %dma_wait3A_94 = tpu.memref_squeeze %dma_wait3A_93 : memref<1x1x1x128xi32, #tpu.memory_space<hbm>> -> memref<128xi32, #tpu.memory_space<hbm>>
    tpu.wait_dma2 semaphore(%arg20 : memref<!tpu.dma_semaphore, #tpu.memory_space<semaphore_mem>>) src(%dma_wait3A_94 : memref<128xi32, #tpu.memory_space<hbm>>) dst(%arg11 : memref<128xi32, #tpu.memory_space<vmem>>)
    "tpu.region"() ({
      %run_scoped3A = tpu.sem_alloc : memref<!tpu.dma_semaphore, #tpu.memory_space<semaphore_mem>>
      %dma_start3A_100 = arith.constant 0 : i32
      %dma_start3A_101 = arith.constant 0 : i32
      %dma_start3A_102 = tpu.memref_slice %arg25[%dma_start3A_100, %dma_start3A_101] : memref<10112x128xf32, #tpu.memory_space<vmem_shared>> -> memref<10112x128xf32, #tpu.memory_space<vmem_shared>>
      tpu.enqueue_indirect_dma source(%arg14 : memref<128x128xf32, #tpu.memory_space<vmem>>) target(%dma_start3A_102 : memref<10112x128xf32, #tpu.memory_space<vmem_shared>>) offsets(%arg11 : memref<128xi32, #tpu.memory_space<vmem>>) semaphore(%run_scoped3A : memref<!tpu.dma_semaphore, #tpu.memory_space<semaphore_mem>>) {add = true}
      %dma_wait3A_103 = arith.constant 0 : i32
      %dma_wait3A_104 = arith.constant 0 : i32
      %dma_wait3A_105 = tpu.memref_slice %arg25[%dma_wait3A_103, %dma_wait3A_104] : memref<10112x128xf32, #tpu.memory_space<vmem_shared>> -> memref<10112x128xf32, #tpu.memory_space<vmem_shared>>
      tpu.wait_indirect_dma semaphore(%run_scoped3A : memref<!tpu.dma_semaphore, #tpu.memory_space<semaphore_mem>>) src(%arg14 : memref<128x128xf32, #tpu.memory_space<vmem>>) dst(%dma_wait3A_105 : memref<10112x128xf32, #tpu.memory_space<vmem_shared>>)
      tpu.yield
    }) : () -> ()
    %barrier3A_95 = arith.constant 0 : index
    tpu.barrier barrier_id(%barrier3A_95)
    %mul3A_96 = arith.constant 632 : i32
    %mul3A_97 = arith.muli %arg1, %mul3A_96 : i32
    %mul3A_98 = arith.constant 632 : i32
    %mul3A_99 = arith.muli %arg1, %mul3A_98 : i32
    "tpu.region"() ({
      %run_scoped3A = tpu.sem_alloc : memref<!tpu.dma_semaphore, #tpu.memory_space<semaphore_mem>>
      %dma_start3A_100 = arith.constant 0 : i32
      %dma_start3A_101 = tpu.memref_slice %arg6[%arg0, %mul3A_99, %dma_start3A_100] : memref<2x10240x128xf32, #tpu.memory_space<hbm>> -> memref<1x632x128xf32, #tpu.memory_space<hbm>>
      %dma_start3A_102 = tpu.memref_squeeze %dma_start3A_101 : memref<1x632x128xf32, #tpu.memory_space<hbm>> -> memref<632x128xf32, #tpu.memory_space<hbm>>
      %dma_start3A_103 = arith.constant 0 : i32
      %dma_start3A_104 = tpu.memref_slice %arg25[%mul3A_97, %dma_start3A_103] : memref<10112x128xf32, #tpu.memory_space<vmem_shared>> -> memref<632x128xf32, #tpu.memory_space<vmem_shared>>
      tpu.enqueue_dma source(%dma_start3A_104 : memref<632x128xf32, #tpu.memory_space<vmem_shared>>) target(%dma_start3A_102 : memref<632x128xf32, #tpu.memory_space<hbm>>) target_semaphore(%run_scoped3A : memref<!tpu.dma_semaphore, #tpu.memory_space<semaphore_mem>>)
      %dma_wait3A_105 = arith.constant 0 : i32
      %dma_wait3A_106 = tpu.memref_slice %arg6[%arg0, %mul3A_99, %dma_wait3A_105] : memref<2x10240x128xf32, #tpu.memory_space<hbm>> -> memref<1x632x128xf32, #tpu.memory_space<hbm>>
      %dma_wait3A_107 = tpu.memref_squeeze %dma_wait3A_106 : memref<1x632x128xf32, #tpu.memory_space<hbm>> -> memref<632x128xf32, #tpu.memory_space<hbm>>
      %dma_wait3A_108 = arith.constant 0 : i32
      %dma_wait3A_109 = tpu.memref_slice %arg25[%mul3A_97, %dma_wait3A_108] : memref<10112x128xf32, #tpu.memory_space<vmem_shared>> -> memref<632x128xf32, #tpu.memory_space<vmem_shared>>
      tpu.wait_dma2 semaphore(%run_scoped3A : memref<!tpu.dma_semaphore, #tpu.memory_space<semaphore_mem>>) src(%dma_wait3A_109 : memref<632x128xf32, #tpu.memory_space<vmem_shared>>) dst(%dma_wait3A_107 : memref<632x128xf32, #tpu.memory_space<hbm>>)
      tpu.yield
    }) : () -> ()
    return
  }
}

#map = affine_map<(d0, d1) -> (0, 0)>
#map1 = affine_map<(d0, d1) -> (0, 0, 0, 0)>
#map2 = affine_map<(d0, d1) -> (0, 0, 0)>
module attributes {stable_mosaic.version = 14 : i64} {
  func.func @k(%arg0: i32, %arg1: i32, %arg2: memref<10240x128xf32, #tpu.memory_space<hbm>>, %arg3: memref<2x16x40x128xi32, #tpu.memory_space<hbm>>, %arg4: memref<2x16x40x128xi32, #tpu.memory_space<hbm>>, %arg5: memref<632x128xf32, #tpu.memory_space<hbm>>, %arg6: memref<2x10240x128xf32, #tpu.memory_space<hbm>>, %arg7: memref<128xi32, #tpu.memory_space<vmem>>, %arg8: memref<128xi32, #tpu.memory_space<vmem>>, %arg9: memref<128xi32, #tpu.memory_space<vmem>>, %arg10: memref<128xi32, #tpu.memory_space<vmem>>, %arg11: memref<128xi32, #tpu.memory_space<vmem>>, %arg12: memref<128xi32, #tpu.memory_space<vmem>>, %arg13: memref<128x128xf32, #tpu.memory_space<vmem>>, %arg14: memref<128x128xf32, #tpu.memory_space<vmem>>, %arg15: memref<128x128xf32, #tpu.memory_space<vmem>>, %arg16: memref<!tpu.dma_semaphore, #tpu.memory_space<semaphore_mem>>, %arg17: memref<!tpu.dma_semaphore, #tpu.memory_space<semaphore_mem>>, %arg18: memref<!tpu.dma_semaphore, #tpu.memory_space<semaphore_mem>>, %arg19: memref<!tpu.dma_semaphore, #tpu.memory_space<semaphore_mem>>, %arg20: memref<!tpu.dma_semaphore, #tpu.memory_space<semaphore_mem>>, %arg21: memref<!tpu.dma_semaphore, #tpu.memory_space<semaphore_mem>>, %arg22: memref<!tpu.dma_semaphore, #tpu.memory_space<semaphore_mem>>, %arg23: memref<!tpu.dma_semaphore, #tpu.memory_space<semaphore_mem>>, %arg24: memref<!tpu.dma_semaphore, #tpu.memory_space<semaphore_mem>>, %arg25: memref<10112x128xf32, #tpu.memory_space<vmem_shared>>) attributes {dimension_semantics = [#tpu.dimension_semantics<core_parallel>, #tpu.dimension_semantics<subcore_parallel>], iteration_bounds = array<i64: 2, 16>, scalar_prefetch = 0 : i64, scratch_operands = 19 : i64, tpu.core_type = #tpu.core_type<sc_vector_subcore>, window_params = [{transform_indices = #map}, {transform_indices = #map1}, {transform_indices = #map1}, {transform_indices = #map}, {transform_indices = #map2}]} {
    %mul3A = arith.constant 632 : i32
    %mul3A_0 = arith.muli %arg1, %mul3A : i32
    "tpu.region"() ({
      %run_scoped3A = tpu.sem_alloc : memref<!tpu.dma_semaphore, #tpu.memory_space<semaphore_mem>>
      %dma_start3A_90 = arith.constant 0 : i32
      %dma_start3A_91 = tpu.memref_slice %arg25[%mul3A_0, %dma_start3A_90] : memref<10112x128xf32, #tpu.memory_space<vmem_shared>> -> memref<632x128xf32, #tpu.memory_space<vmem_shared>>
      tpu.enqueue_dma source(%arg5 : memref<632x128xf32, #tpu.memory_space<hbm>>) target(%dma_start3A_91 : memref<632x128xf32, #tpu.memory_space<vmem_shared>>) target_semaphore(%run_scoped3A : memref<!tpu.dma_semaphore, #tpu.memory_space<semaphore_mem>>)
      %dma_wait3A_92 = arith.constant 0 : i32
      %dma_wait3A_93 = tpu.memref_slice %arg25[%mul3A_0, %dma_wait3A_92] : memref<10112x128xf32, #tpu.memory_space<vmem_shared>> -> memref<632x128xf32, #tpu.memory_space<vmem_shared>>
      tpu.wait_dma2 semaphore(%run_scoped3A : memref<!tpu.dma_semaphore, #tpu.memory_space<semaphore_mem>>) src(%arg5 : memref<632x128xf32, #tpu.memory_space<hbm>>) dst(%dma_wait3A_93 : memref<632x128xf32, #tpu.memory_space<vmem_shared>>)
      tpu.yield
    }) : () -> ()
    %barrier3A = arith.constant 0 : index
    tpu.barrier barrier_id(%barrier3A)
    %dma_start3A = arith.constant 0 : i32
    %dma_start3A_1 = arith.constant 0 : i32
    %dma_start3A_2 = tpu.memref_slice %arg3[%arg0, %arg1, %dma_start3A, %dma_start3A_1] : memref<2x16x40x128xi32, #tpu.memory_space<hbm>> -> memref<1x1x1x128xi32, #tpu.memory_space<hbm>>
    %dma_start3A_3 = tpu.memref_squeeze %dma_start3A_2 : memref<1x1x1x128xi32, #tpu.memory_space<hbm>> -> memref<128xi32, #tpu.memory_space<hbm>>
    %dma_start3A_4 = arith.constant 0 : i32
    %dma_start3A_5 = tpu.memref_slice %arg3[%arg0, %arg1, %dma_start3A, %dma_start3A_4] : memref<2x16x40x128xi32, #tpu.memory_space<hbm>> -> memref<1x1x1x128xi32, #tpu.memory_space<hbm>>
    %dma_start3A_6 = tpu.memref_squeeze %dma_start3A_5 : memref<1x1x1x128xi32, #tpu.memory_space<hbm>> -> memref<128xi32, #tpu.memory_space<hbm>>
    tpu.enqueue_dma source(%dma_start3A_6 : memref<128xi32, #tpu.memory_space<hbm>>) target(%arg7 : memref<128xi32, #tpu.memory_space<vmem>>) target_semaphore(%arg16 : memref<!tpu.dma_semaphore, #tpu.memory_space<semaphore_mem>>)
    %dma_start3A_7 = arith.constant 0 : i32
    %dma_start3A_8 = arith.constant 0 : i32
    %dma_start3A_9 = tpu.memref_slice %arg4[%arg0, %arg1, %dma_start3A_7, %dma_start3A_8] : memref<2x16x40x128xi32, #tpu.memory_space<hbm>> -> memref<1x1x1x128xi32, #tpu.memory_space<hbm>>
    %dma_start3A_10 = tpu.memref_squeeze %dma_start3A_9 : memref<1x1x1x128xi32, #tpu.memory_space<hbm>> -> memref<128xi32, #tpu.memory_space<hbm>>
    %dma_start3A_11 = arith.constant 0 : i32
    %dma_start3A_12 = tpu.memref_slice %arg4[%arg0, %arg1, %dma_start3A_7, %dma_start3A_11] : memref<2x16x40x128xi32, #tpu.memory_space<hbm>> -> memref<1x1x1x128xi32, #tpu.memory_space<hbm>>
    %dma_start3A_13 = tpu.memref_squeeze %dma_start3A_12 : memref<1x1x1x128xi32, #tpu.memory_space<hbm>> -> memref<128xi32, #tpu.memory_space<hbm>>
    tpu.enqueue_dma source(%dma_start3A_13 : memref<128xi32, #tpu.memory_space<hbm>>) target(%arg10 : memref<128xi32, #tpu.memory_space<vmem>>) target_semaphore(%arg19 : memref<!tpu.dma_semaphore, #tpu.memory_space<semaphore_mem>>)
    %dma_start3A_14 = arith.constant 1 : i32
    %dma_start3A_15 = arith.constant 0 : i32
    %dma_start3A_16 = tpu.memref_slice %arg3[%arg0, %arg1, %dma_start3A_14, %dma_start3A_15] : memref<2x16x40x128xi32, #tpu.memory_space<hbm>> -> memref<1x1x1x128xi32, #tpu.memory_space<hbm>>
    %dma_start3A_17 = tpu.memref_squeeze %dma_start3A_16 : memref<1x1x1x128xi32, #tpu.memory_space<hbm>> -> memref<128xi32, #tpu.memory_space<hbm>>
    %dma_start3A_18 = arith.constant 0 : i32
    %dma_start3A_19 = tpu.memref_slice %arg3[%arg0, %arg1, %dma_start3A_14, %dma_start3A_18] : memref<2x16x40x128xi32, #tpu.memory_space<hbm>> -> memref<1x1x1x128xi32, #tpu.memory_space<hbm>>
    %dma_start3A_20 = tpu.memref_squeeze %dma_start3A_19 : memref<1x1x1x128xi32, #tpu.memory_space<hbm>> -> memref<128xi32, #tpu.memory_space<hbm>>
    tpu.enqueue_dma source(%dma_start3A_20 : memref<128xi32, #tpu.memory_space<hbm>>) target(%arg8 : memref<128xi32, #tpu.memory_space<vmem>>) target_semaphore(%arg17 : memref<!tpu.dma_semaphore, #tpu.memory_space<semaphore_mem>>)
    %dma_start3A_21 = arith.constant 1 : i32
    %dma_start3A_22 = arith.constant 0 : i32
    %dma_start3A_23 = tpu.memref_slice %arg4[%arg0, %arg1, %dma_start3A_21, %dma_start3A_22] : memref<2x16x40x128xi32, #tpu.memory_space<hbm>> -> memref<1x1x1x128xi32, #tpu.memory_space<hbm>>
    %dma_start3A_24 = tpu.memref_squeeze %dma_start3A_23 : memref<1x1x1x128xi32, #tpu.memory_space<hbm>> -> memref<128xi32, #tpu.memory_space<hbm>>
    %dma_start3A_25 = arith.constant 0 : i32
    %dma_start3A_26 = tpu.memref_slice %arg4[%arg0, %arg1, %dma_start3A_21, %dma_start3A_25] : memref<2x16x40x128xi32, #tpu.memory_space<hbm>> -> memref<1x1x1x128xi32, #tpu.memory_space<hbm>>
    %dma_start3A_27 = tpu.memref_squeeze %dma_start3A_26 : memref<1x1x1x128xi32, #tpu.memory_space<hbm>> -> memref<128xi32, #tpu.memory_space<hbm>>
    tpu.enqueue_dma source(%dma_start3A_27 : memref<128xi32, #tpu.memory_space<hbm>>) target(%arg11 : memref<128xi32, #tpu.memory_space<vmem>>) target_semaphore(%arg20 : memref<!tpu.dma_semaphore, #tpu.memory_space<semaphore_mem>>)
    %dma_start3A_28 = arith.constant 2 : i32
    %dma_start3A_29 = arith.constant 0 : i32
    %dma_start3A_30 = tpu.memref_slice %arg3[%arg0, %arg1, %dma_start3A_28, %dma_start3A_29] : memref<2x16x40x128xi32, #tpu.memory_space<hbm>> -> memref<1x1x1x128xi32, #tpu.memory_space<hbm>>
    %dma_start3A_31 = tpu.memref_squeeze %dma_start3A_30 : memref<1x1x1x128xi32, #tpu.memory_space<hbm>> -> memref<128xi32, #tpu.memory_space<hbm>>
    %dma_start3A_32 = arith.constant 0 : i32
    %dma_start3A_33 = tpu.memref_slice %arg3[%arg0, %arg1, %dma_start3A_28, %dma_start3A_32] : memref<2x16x40x128xi32, #tpu.memory_space<hbm>> -> memref<1x1x1x128xi32, #tpu.memory_space<hbm>>
    %dma_start3A_34 = tpu.memref_squeeze %dma_start3A_33 : memref<1x1x1x128xi32, #tpu.memory_space<hbm>> -> memref<128xi32, #tpu.memory_space<hbm>>
    tpu.enqueue_dma source(%dma_start3A_34 : memref<128xi32, #tpu.memory_space<hbm>>) target(%arg9 : memref<128xi32, #tpu.memory_space<vmem>>) target_semaphore(%arg18 : memref<!tpu.dma_semaphore, #tpu.memory_space<semaphore_mem>>)
    %dma_start3A_35 = arith.constant 2 : i32
    %dma_start3A_36 = arith.constant 0 : i32
    %dma_start3A_37 = tpu.memref_slice %arg4[%arg0, %arg1, %dma_start3A_35, %dma_start3A_36] : memref<2x16x40x128xi32, #tpu.memory_space<hbm>> -> memref<1x1x1x128xi32, #tpu.memory_space<hbm>>
    %dma_start3A_38 = tpu.memref_squeeze %dma_start3A_37 : memref<1x1x1x128xi32, #tpu.memory_space<hbm>> -> memref<128xi32, #tpu.memory_space<hbm>>
    %dma_start3A_39 = arith.constant 0 : i32
    %dma_start3A_40 = tpu.memref_slice %arg4[%arg0, %arg1, %dma_start3A_35, %dma_start3A_39] : memref<2x16x40x128xi32, #tpu.memory_space<hbm>> -> memref<1x1x1x128xi32, #tpu.memory_space<hbm>>
    %dma_start3A_41 = tpu.memref_squeeze %dma_start3A_40 : memref<1x1x1x128xi32, #tpu.memory_space<hbm>> -> memref<128xi32, #tpu.memory_space<hbm>>
    tpu.enqueue_dma source(%dma_start3A_41 : memref<128xi32, #tpu.memory_space<hbm>>) target(%arg12 : memref<128xi32, #tpu.memory_space<vmem>>) target_semaphore(%arg21 : memref<!tpu.dma_semaphore, #tpu.memory_space<semaphore_mem>>)
    %dma_wait3A = arith.constant 0 : i32
    %dma_wait3A_42 = arith.constant 0 : i32
    %dma_wait3A_43 = tpu.memref_slice %arg3[%arg0, %arg1, %dma_wait3A, %dma_wait3A_42] : memref<2x16x40x128xi32, #tpu.memory_space<hbm>> -> memref<1x1x1x128xi32, #tpu.memory_space<hbm>>
    %dma_wait3A_44 = tpu.memref_squeeze %dma_wait3A_43 : memref<1x1x1x128xi32, #tpu.memory_space<hbm>> -> memref<128xi32, #tpu.memory_space<hbm>>
    %dma_wait3A_45 = arith.constant 0 : i32
    %dma_wait3A_46 = tpu.memref_slice %arg3[%arg0, %arg1, %dma_wait3A, %dma_wait3A_45] : memref<2x16x40x128xi32, #tpu.memory_space<hbm>> -> memref<1x1x1x128xi32, #tpu.memory_space<hbm>>
    %dma_wait3A_47 = tpu.memref_squeeze %dma_wait3A_46 : memref<1x1x1x128xi32, #tpu.memory_space<hbm>> -> memref<128xi32, #tpu.memory_space<hbm>>
    tpu.wait_dma2 semaphore(%arg16 : memref<!tpu.dma_semaphore, #tpu.memory_space<semaphore_mem>>) src(%dma_wait3A_47 : memref<128xi32, #tpu.memory_space<hbm>>) dst(%arg7 : memref<128xi32, #tpu.memory_space<vmem>>)
    %dma_start3A_48 = arith.constant 0 : i32
    %dma_start3A_49 = arith.constant 0 : i32
    %dma_start3A_50 = tpu.memref_slice %arg2[%dma_start3A_48, %dma_start3A_49] : memref<10240x128xf32, #tpu.memory_space<hbm>> -> memref<10240x128xf32, #tpu.memory_space<hbm>>
    tpu.enqueue_indirect_dma source(%dma_start3A_50 : memref<10240x128xf32, #tpu.memory_space<hbm>>) target(%arg13 : memref<128x128xf32, #tpu.memory_space<vmem>>) offsets(%arg7 : memref<128xi32, #tpu.memory_space<vmem>>) semaphore(%arg22 : memref<!tpu.dma_semaphore, #tpu.memory_space<semaphore_mem>>)
    %dma_wait3A_51 = arith.constant 0 : i32
    %dma_wait3A_52 = arith.constant 0 : i32
    %dma_wait3A_53 = tpu.memref_slice %arg3[%arg0, %arg1, %dma_wait3A_51, %dma_wait3A_52] : memref<2x16x40x128xi32, #tpu.memory_space<hbm>> -> memref<1x1x1x128xi32, #tpu.memory_space<hbm>>
    %dma_wait3A_54 = tpu.memref_squeeze %dma_wait3A_53 : memref<1x1x1x128xi32, #tpu.memory_space<hbm>> -> memref<128xi32, #tpu.memory_space<hbm>>
    %dma_wait3A_55 = arith.constant 0 : i32
    %dma_wait3A_56 = tpu.memref_slice %arg3[%arg0, %arg1, %dma_wait3A_51, %dma_wait3A_55] : memref<2x16x40x128xi32, #tpu.memory_space<hbm>> -> memref<1x1x1x128xi32, #tpu.memory_space<hbm>>
    %dma_wait3A_57 = tpu.memref_squeeze %dma_wait3A_56 : memref<1x1x1x128xi32, #tpu.memory_space<hbm>> -> memref<128xi32, #tpu.memory_space<hbm>>
    tpu.wait_dma2 semaphore(%arg17 : memref<!tpu.dma_semaphore, #tpu.memory_space<semaphore_mem>>) src(%dma_wait3A_57 : memref<128xi32, #tpu.memory_space<hbm>>) dst(%arg8 : memref<128xi32, #tpu.memory_space<vmem>>)
    %dma_start3A_58 = arith.constant 0 : i32
    %dma_start3A_59 = arith.constant 0 : i32
    %dma_start3A_60 = tpu.memref_slice %arg2[%dma_start3A_58, %dma_start3A_59] : memref<10240x128xf32, #tpu.memory_space<hbm>> -> memref<10240x128xf32, #tpu.memory_space<hbm>>
    tpu.enqueue_indirect_dma source(%dma_start3A_60 : memref<10240x128xf32, #tpu.memory_space<hbm>>) target(%arg14 : memref<128x128xf32, #tpu.memory_space<vmem>>) offsets(%arg8 : memref<128xi32, #tpu.memory_space<vmem>>) semaphore(%arg23 : memref<!tpu.dma_semaphore, #tpu.memory_space<semaphore_mem>>)
    %dma_wait3A_61 = arith.constant 0 : i32
    %dma_wait3A_62 = arith.constant 0 : i32
    %dma_wait3A_63 = tpu.memref_slice %arg3[%arg0, %arg1, %dma_wait3A_61, %dma_wait3A_62] : memref<2x16x40x128xi32, #tpu.memory_space<hbm>> -> memref<1x1x1x128xi32, #tpu.memory_space<hbm>>
    %dma_wait3A_64 = tpu.memref_squeeze %dma_wait3A_63 : memref<1x1x1x128xi32, #tpu.memory_space<hbm>> -> memref<128xi32, #tpu.memory_space<hbm>>
    %dma_wait3A_65 = arith.constant 0 : i32
    %dma_wait3A_66 = tpu.memref_slice %arg3[%arg0, %arg1, %dma_wait3A_61, %dma_wait3A_65] : memref<2x16x40x128xi32, #tpu.memory_space<hbm>> -> memref<1x1x1x128xi32, #tpu.memory_space<hbm>>
    %dma_wait3A_67 = tpu.memref_squeeze %dma_wait3A_66 : memref<1x1x1x128xi32, #tpu.memory_space<hbm>> -> memref<128xi32, #tpu.memory_space<hbm>>
    tpu.wait_dma2 semaphore(%arg18 : memref<!tpu.dma_semaphore, #tpu.memory_space<semaphore_mem>>) src(%dma_wait3A_67 : memref<128xi32, #tpu.memory_space<hbm>>) dst(%arg9 : memref<128xi32, #tpu.memory_space<vmem>>)
    %dma_start3A_68 = arith.constant 0 : i32
    %dma_start3A_69 = arith.constant 0 : i32
    %dma_start3A_70 = tpu.memref_slice %arg2[%dma_start3A_68, %dma_start3A_69] : memref<10240x128xf32, #tpu.memory_space<hbm>> -> memref<10240x128xf32, #tpu.memory_space<hbm>>
    tpu.enqueue_indirect_dma source(%dma_start3A_70 : memref<10240x128xf32, #tpu.memory_space<hbm>>) target(%arg15 : memref<128x128xf32, #tpu.memory_space<vmem>>) offsets(%arg9 : memref<128xi32, #tpu.memory_space<vmem>>) semaphore(%arg24 : memref<!tpu.dma_semaphore, #tpu.memory_space<semaphore_mem>>)
    %scan3A = arith.constant 0 : i32
    %scan3A_71 = arith.constant 13 : i32
    %scan3A_72 = arith.addi %scan3A, %scan3A_71 : i32
    %scan3A_73 = arith.constant 1 : i32
    scf.for %scan3A_90 = %scan3A to %scan3A_72 step %scan3A_73  : i32 {
      %mul3A_91 = arith.constant 1 : i32
      %mul3A_92 = arith.muli %scan3A_90, %mul3A_91 : i32
      %add3A = arith.constant 0 : i32
      %add3A_93 = arith.addi %add3A, %mul3A_92 : i32
      %mul3A_94 = arith.constant 3 : i32
      %mul3A_95 = arith.muli %add3A_93, %mul3A_94 : i32
      %add3A_96 = arith.constant 0 : i32
      %add3A_97 = arith.addi %mul3A_95, %add3A_96 : i32
      %add3A_98 = arith.constant 3 : i32
      %add3A_99 = arith.addi %add3A_97, %add3A_98 : i32
      %dma_wait3A_100 = arith.constant 0 : i32
      %dma_wait3A_101 = arith.constant 0 : i32
      %dma_wait3A_102 = tpu.memref_slice %arg2[%dma_wait3A_100, %dma_wait3A_101] : memref<10240x128xf32, #tpu.memory_space<hbm>> -> memref<10240x128xf32, #tpu.memory_space<hbm>>
      tpu.wait_indirect_dma semaphore(%arg22 : memref<!tpu.dma_semaphore, #tpu.memory_space<semaphore_mem>>) src(%dma_wait3A_102 : memref<10240x128xf32, #tpu.memory_space<hbm>>) dst(%arg13 : memref<128x128xf32, #tpu.memory_space<vmem>>)
      %lt3A = arith.constant 40 : i32
      %lt3A_103 = arith.cmpi slt, %add3A_99, %lt3A : i32
      %convert_element_type3A = arith.extui %lt3A_103 : i1 to i32
      %cond3A = arith.constant 0 : i32
      %cond3A_104 = arith.cmpi ne, %convert_element_type3A, %cond3A : i32
      scf.if %cond3A_104 {
        %dma_start3A_169 = arith.constant 0 : i32
        %dma_start3A_170 = tpu.memref_slice %arg3[%arg0, %arg1, %add3A_99, %dma_start3A_169] : memref<2x16x40x128xi32, #tpu.memory_space<hbm>> -> memref<1x1x1x128xi32, #tpu.memory_space<hbm>>
        %dma_start3A_171 = tpu.memref_squeeze %dma_start3A_170 : memref<1x1x1x128xi32, #tpu.memory_space<hbm>> -> memref<128xi32, #tpu.memory_space<hbm>>
        %dma_start3A_172 = arith.constant 0 : i32
        %dma_start3A_173 = tpu.memref_slice %arg3[%arg0, %arg1, %add3A_99, %dma_start3A_172] : memref<2x16x40x128xi32, #tpu.memory_space<hbm>> -> memref<1x1x1x128xi32, #tpu.memory_space<hbm>>
        %dma_start3A_174 = tpu.memref_squeeze %dma_start3A_173 : memref<1x1x1x128xi32, #tpu.memory_space<hbm>> -> memref<128xi32, #tpu.memory_space<hbm>>
        tpu.enqueue_dma source(%dma_start3A_174 : memref<128xi32, #tpu.memory_space<hbm>>) target(%arg7 : memref<128xi32, #tpu.memory_space<vmem>>) target_semaphore(%arg16 : memref<!tpu.dma_semaphore, #tpu.memory_space<semaphore_mem>>)
      } else {
      }
      %dma_wait3A_105 = arith.constant 0 : i32
      %dma_wait3A_106 = arith.constant 0 : i32
      %dma_wait3A_107 = tpu.memref_slice %arg4[%arg0, %arg1, %dma_wait3A_105, %dma_wait3A_106] : memref<2x16x40x128xi32, #tpu.memory_space<hbm>> -> memref<1x1x1x128xi32, #tpu.memory_space<hbm>>
      %dma_wait3A_108 = tpu.memref_squeeze %dma_wait3A_107 : memref<1x1x1x128xi32, #tpu.memory_space<hbm>> -> memref<128xi32, #tpu.memory_space<hbm>>
      %dma_wait3A_109 = arith.constant 0 : i32
      %dma_wait3A_110 = tpu.memref_slice %arg4[%arg0, %arg1, %dma_wait3A_105, %dma_wait3A_109] : memref<2x16x40x128xi32, #tpu.memory_space<hbm>> -> memref<1x1x1x128xi32, #tpu.memory_space<hbm>>
      %dma_wait3A_111 = tpu.memref_squeeze %dma_wait3A_110 : memref<1x1x1x128xi32, #tpu.memory_space<hbm>> -> memref<128xi32, #tpu.memory_space<hbm>>
      tpu.wait_dma2 semaphore(%arg19 : memref<!tpu.dma_semaphore, #tpu.memory_space<semaphore_mem>>) src(%dma_wait3A_111 : memref<128xi32, #tpu.memory_space<hbm>>) dst(%arg10 : memref<128xi32, #tpu.memory_space<vmem>>)
      "tpu.region"() ({
        %run_scoped3A = tpu.sem_alloc : memref<!tpu.dma_semaphore, #tpu.memory_space<semaphore_mem>>
        %dma_start3A_169 = arith.constant 0 : i32
        %dma_start3A_170 = arith.constant 0 : i32
        %dma_start3A_171 = tpu.memref_slice %arg25[%dma_start3A_169, %dma_start3A_170] : memref<10112x128xf32, #tpu.memory_space<vmem_shared>> -> memref<10112x128xf32, #tpu.memory_space<vmem_shared>>
        tpu.enqueue_indirect_dma source(%arg13 : memref<128x128xf32, #tpu.memory_space<vmem>>) target(%dma_start3A_171 : memref<10112x128xf32, #tpu.memory_space<vmem_shared>>) offsets(%arg10 : memref<128xi32, #tpu.memory_space<vmem>>) semaphore(%run_scoped3A : memref<!tpu.dma_semaphore, #tpu.memory_space<semaphore_mem>>) {add = true}
        %dma_wait3A_172 = arith.constant 0 : i32
        %dma_wait3A_173 = arith.constant 0 : i32
        %dma_wait3A_174 = tpu.memref_slice %arg25[%dma_wait3A_172, %dma_wait3A_173] : memref<10112x128xf32, #tpu.memory_space<vmem_shared>> -> memref<10112x128xf32, #tpu.memory_space<vmem_shared>>
        tpu.wait_indirect_dma semaphore(%run_scoped3A : memref<!tpu.dma_semaphore, #tpu.memory_space<semaphore_mem>>) src(%arg13 : memref<128x128xf32, #tpu.memory_space<vmem>>) dst(%dma_wait3A_174 : memref<10112x128xf32, #tpu.memory_space<vmem_shared>>)
        tpu.yield
      }) : () -> ()
      %lt3A_112 = arith.constant 40 : i32
      %lt3A_113 = arith.cmpi slt, %add3A_99, %lt3A_112 : i32
      %convert_element_type3A_114 = arith.extui %lt3A_113 : i1 to i32
      %cond3A_115 = arith.constant 0 : i32
      %cond3A_116 = arith.cmpi ne, %convert_element_type3A_114, %cond3A_115 : i32
      scf.if %cond3A_116 {
        %dma_start3A_169 = arith.constant 0 : i32
        %dma_start3A_170 = tpu.memref_slice %arg4[%arg0, %arg1, %add3A_99, %dma_start3A_169] : memref<2x16x40x128xi32, #tpu.memory_space<hbm>> -> memref<1x1x1x128xi32, #tpu.memory_space<hbm>>
        %dma_start3A_171 = tpu.memref_squeeze %dma_start3A_170 : memref<1x1x1x128xi32, #tpu.memory_space<hbm>> -> memref<128xi32, #tpu.memory_space<hbm>>
        %dma_start3A_172 = arith.constant 0 : i32
        %dma_start3A_173 = tpu.memref_slice %arg4[%arg0, %arg1, %add3A_99, %dma_start3A_172] : memref<2x16x40x128xi32, #tpu.memory_space<hbm>> -> memref<1x1x1x128xi32, #tpu.memory_space<hbm>>
        %dma_start3A_174 = tpu.memref_squeeze %dma_start3A_173 : memref<1x1x1x128xi32, #tpu.memory_space<hbm>> -> memref<128xi32, #tpu.memory_space<hbm>>
        tpu.enqueue_dma source(%dma_start3A_174 : memref<128xi32, #tpu.memory_space<hbm>>) target(%arg10 : memref<128xi32, #tpu.memory_space<vmem>>) target_semaphore(%arg19 : memref<!tpu.dma_semaphore, #tpu.memory_space<semaphore_mem>>)
        %dma_wait3A_175 = arith.constant 0 : i32
        %dma_wait3A_176 = arith.constant 0 : i32
        %dma_wait3A_177 = tpu.memref_slice %arg3[%arg0, %arg1, %dma_wait3A_175, %dma_wait3A_176] : memref<2x16x40x128xi32, #tpu.memory_space<hbm>> -> memref<1x1x1x128xi32, #tpu.memory_space<hbm>>
        %dma_wait3A_178 = tpu.memref_squeeze %dma_wait3A_177 : memref<1x1x1x128xi32, #tpu.memory_space<hbm>> -> memref<128xi32, #tpu.memory_space<hbm>>
        %dma_wait3A_179 = arith.constant 0 : i32
        %dma_wait3A_180 = tpu.memref_slice %arg3[%arg0, %arg1, %dma_wait3A_175, %dma_wait3A_179] : memref<2x16x40x128xi32, #tpu.memory_space<hbm>> -> memref<1x1x1x128xi32, #tpu.memory_space<hbm>>
        %dma_wait3A_181 = tpu.memref_squeeze %dma_wait3A_180 : memref<1x1x1x128xi32, #tpu.memory_space<hbm>> -> memref<128xi32, #tpu.memory_space<hbm>>
        tpu.wait_dma2 semaphore(%arg16 : memref<!tpu.dma_semaphore, #tpu.memory_space<semaphore_mem>>) src(%dma_wait3A_181 : memref<128xi32, #tpu.memory_space<hbm>>) dst(%arg7 : memref<128xi32, #tpu.memory_space<vmem>>)
        %dma_start3A_182 = arith.constant 0 : i32
        %dma_start3A_183 = arith.constant 0 : i32
        %dma_start3A_184 = tpu.memref_slice %arg2[%dma_start3A_182, %dma_start3A_183] : memref<10240x128xf32, #tpu.memory_space<hbm>> -> memref<10240x128xf32, #tpu.memory_space<hbm>>
        tpu.enqueue_indirect_dma source(%dma_start3A_184 : memref<10240x128xf32, #tpu.memory_space<hbm>>) target(%arg13 : memref<128x128xf32, #tpu.memory_space<vmem>>) offsets(%arg7 : memref<128xi32, #tpu.memory_space<vmem>>) semaphore(%arg22 : memref<!tpu.dma_semaphore, #tpu.memory_space<semaphore_mem>>)
      } else {
      }
      %mul3A_117 = arith.constant 3 : i32
      %mul3A_118 = arith.muli %add3A_93, %mul3A_117 : i32
      %add3A_119 = arith.constant 1 : i32
      %add3A_120 = arith.addi %mul3A_118, %add3A_119 : i32
      %add3A_121 = arith.constant 3 : i32
      %add3A_122 = arith.addi %add3A_120, %add3A_121 : i32
      %dma_wait3A_123 = arith.constant 0 : i32
      %dma_wait3A_124 = arith.constant 0 : i32
      %dma_wait3A_125 = tpu.memref_slice %arg2[%dma_wait3A_123, %dma_wait3A_124] : memref<10240x128xf32, #tpu.memory_space<hbm>> -> memref<10240x128xf32, #tpu.memory_space<hbm>>
      tpu.wait_indirect_dma semaphore(%arg23 : memref<!tpu.dma_semaphore, #tpu.memory_space<semaphore_mem>>) src(%dma_wait3A_125 : memref<10240x128xf32, #tpu.memory_space<hbm>>) dst(%arg14 : memref<128x128xf32, #tpu.memory_space<vmem>>)
      %lt3A_126 = arith.constant 40 : i32
      %lt3A_127 = arith.cmpi slt, %add3A_122, %lt3A_126 : i32
      %convert_element_type3A_128 = arith.extui %lt3A_127 : i1 to i32
      %cond3A_129 = arith.constant 0 : i32
      %cond3A_130 = arith.cmpi ne, %convert_element_type3A_128, %cond3A_129 : i32
      scf.if %cond3A_130 {
        %dma_start3A_169 = arith.constant 0 : i32
        %dma_start3A_170 = tpu.memref_slice %arg3[%arg0, %arg1, %add3A_122, %dma_start3A_169] : memref<2x16x40x128xi32, #tpu.memory_space<hbm>> -> memref<1x1x1x128xi32, #tpu.memory_space<hbm>>
        %dma_start3A_171 = tpu.memref_squeeze %dma_start3A_170 : memref<1x1x1x128xi32, #tpu.memory_space<hbm>> -> memref<128xi32, #tpu.memory_space<hbm>>
        %dma_start3A_172 = arith.constant 0 : i32
        %dma_start3A_173 = tpu.memref_slice %arg3[%arg0, %arg1, %add3A_122, %dma_start3A_172] : memref<2x16x40x128xi32, #tpu.memory_space<hbm>> -> memref<1x1x1x128xi32, #tpu.memory_space<hbm>>
        %dma_start3A_174 = tpu.memref_squeeze %dma_start3A_173 : memref<1x1x1x128xi32, #tpu.memory_space<hbm>> -> memref<128xi32, #tpu.memory_space<hbm>>
        tpu.enqueue_dma source(%dma_start3A_174 : memref<128xi32, #tpu.memory_space<hbm>>) target(%arg8 : memref<128xi32, #tpu.memory_space<vmem>>) target_semaphore(%arg17 : memref<!tpu.dma_semaphore, #tpu.memory_space<semaphore_mem>>)
      } else {
      }
      %dma_wait3A_131 = arith.constant 0 : i32
      %dma_wait3A_132 = arith.constant 0 : i32
      %dma_wait3A_133 = tpu.memref_slice %arg4[%arg0, %arg1, %dma_wait3A_131, %dma_wait3A_132] : memref<2x16x40x128xi32, #tpu.memory_space<hbm>> -> memref<1x1x1x128xi32, #tpu.memory_space<hbm>>
      %dma_wait3A_134 = tpu.memref_squeeze %dma_wait3A_133 : memref<1x1x1x128xi32, #tpu.memory_space<hbm>> -> memref<128xi32, #tpu.memory_space<hbm>>
      %dma_wait3A_135 = arith.constant 0 : i32
      %dma_wait3A_136 = tpu.memref_slice %arg4[%arg0, %arg1, %dma_wait3A_131, %dma_wait3A_135] : memref<2x16x40x128xi32, #tpu.memory_space<hbm>> -> memref<1x1x1x128xi32, #tpu.memory_space<hbm>>
      %dma_wait3A_137 = tpu.memref_squeeze %dma_wait3A_136 : memref<1x1x1x128xi32, #tpu.memory_space<hbm>> -> memref<128xi32, #tpu.memory_space<hbm>>
      tpu.wait_dma2 semaphore(%arg20 : memref<!tpu.dma_semaphore, #tpu.memory_space<semaphore_mem>>) src(%dma_wait3A_137 : memref<128xi32, #tpu.memory_space<hbm>>) dst(%arg11 : memref<128xi32, #tpu.memory_space<vmem>>)
      "tpu.region"() ({
        %run_scoped3A = tpu.sem_alloc : memref<!tpu.dma_semaphore, #tpu.memory_space<semaphore_mem>>
        %dma_start3A_169 = arith.constant 0 : i32
        %dma_start3A_170 = arith.constant 0 : i32
        %dma_start3A_171 = tpu.memref_slice %arg25[%dma_start3A_169, %dma_start3A_170] : memref<10112x128xf32, #tpu.memory_space<vmem_shared>> -> memref<10112x128xf32, #tpu.memory_space<vmem_shared>>
        tpu.enqueue_indirect_dma source(%arg14 : memref<128x128xf32, #tpu.memory_space<vmem>>) target(%dma_start3A_171 : memref<10112x128xf32, #tpu.memory_space<vmem_shared>>) offsets(%arg11 : memref<128xi32, #tpu.memory_space<vmem>>) semaphore(%run_scoped3A : memref<!tpu.dma_semaphore, #tpu.memory_space<semaphore_mem>>) {add = true}
        %dma_wait3A_172 = arith.constant 0 : i32
        %dma_wait3A_173 = arith.constant 0 : i32
        %dma_wait3A_174 = tpu.memref_slice %arg25[%dma_wait3A_172, %dma_wait3A_173] : memref<10112x128xf32, #tpu.memory_space<vmem_shared>> -> memref<10112x128xf32, #tpu.memory_space<vmem_shared>>
        tpu.wait_indirect_dma semaphore(%run_scoped3A : memref<!tpu.dma_semaphore, #tpu.memory_space<semaphore_mem>>) src(%arg14 : memref<128x128xf32, #tpu.memory_space<vmem>>) dst(%dma_wait3A_174 : memref<10112x128xf32, #tpu.memory_space<vmem_shared>>)
        tpu.yield
      }) : () -> ()
      %lt3A_138 = arith.constant 40 : i32
      %lt3A_139 = arith.cmpi slt, %add3A_122, %lt3A_138 : i32
      %convert_element_type3A_140 = arith.extui %lt3A_139 : i1 to i32
      %cond3A_141 = arith.constant 0 : i32
      %cond3A_142 = arith.cmpi ne, %convert_element_type3A_140, %cond3A_141 : i32
      scf.if %cond3A_142 {
        %dma_start3A_169 = arith.constant 0 : i32
        %dma_start3A_170 = tpu.memref_slice %arg4[%arg0, %arg1, %add3A_122, %dma_start3A_169] : memref<2x16x40x128xi32, #tpu.memory_space<hbm>> -> memref<1x1x1x128xi32, #tpu.memory_space<hbm>>
        %dma_start3A_171 = tpu.memref_squeeze %dma_start3A_170 : memref<1x1x1x128xi32, #tpu.memory_space<hbm>> -> memref<128xi32, #tpu.memory_space<hbm>>
        %dma_start3A_172 = arith.constant 0 : i32
        %dma_start3A_173 = tpu.memref_slice %arg4[%arg0, %arg1, %add3A_122, %dma_start3A_172] : memref<2x16x40x128xi32, #tpu.memory_space<hbm>> -> memref<1x1x1x128xi32, #tpu.memory_space<hbm>>
        %dma_start3A_174 = tpu.memref_squeeze %dma_start3A_173 : memref<1x1x1x128xi32, #tpu.memory_space<hbm>> -> memref<128xi32, #tpu.memory_space<hbm>>
        tpu.enqueue_dma source(%dma_start3A_174 : memref<128xi32, #tpu.memory_space<hbm>>) target(%arg11 : memref<128xi32, #tpu.memory_space<vmem>>) target_semaphore(%arg20 : memref<!tpu.dma_semaphore, #tpu.memory_space<semaphore_mem>>)
        %dma_wait3A_175 = arith.constant 0 : i32
        %dma_wait3A_176 = arith.constant 0 : i32
        %dma_wait3A_177 = tpu.memref_slice %arg3[%arg0, %arg1, %dma_wait3A_175, %dma_wait3A_176] : memref<2x16x40x128xi32, #tpu.memory_space<hbm>> -> memref<1x1x1x128xi32, #tpu.memory_space<hbm>>
        %dma_wait3A_178 = tpu.memref_squeeze %dma_wait3A_177 : memref<1x1x1x128xi32, #tpu.memory_space<hbm>> -> memref<128xi32, #tpu.memory_space<hbm>>
        %dma_wait3A_179 = arith.constant 0 : i32
        %dma_wait3A_180 = tpu.memref_slice %arg3[%arg0, %arg1, %dma_wait3A_175, %dma_wait3A_179] : memref<2x16x40x128xi32, #tpu.memory_space<hbm>> -> memref<1x1x1x128xi32, #tpu.memory_space<hbm>>
        %dma_wait3A_181 = tpu.memref_squeeze %dma_wait3A_180 : memref<1x1x1x128xi32, #tpu.memory_space<hbm>> -> memref<128xi32, #tpu.memory_space<hbm>>
        tpu.wait_dma2 semaphore(%arg17 : memref<!tpu.dma_semaphore, #tpu.memory_space<semaphore_mem>>) src(%dma_wait3A_181 : memref<128xi32, #tpu.memory_space<hbm>>) dst(%arg8 : memref<128xi32, #tpu.memory_space<vmem>>)
        %dma_start3A_182 = arith.constant 0 : i32
        %dma_start3A_183 = arith.constant 0 : i32
        %dma_start3A_184 = tpu.memref_slice %arg2[%dma_start3A_182, %dma_start3A_183] : memref<10240x128xf32, #tpu.memory_space<hbm>> -> memref<10240x128xf32, #tpu.memory_space<hbm>>
        tpu.enqueue_indirect_dma source(%dma_start3A_184 : memref<10240x128xf32, #tpu.memory_space<hbm>>) target(%arg14 : memref<128x128xf32, #tpu.memory_space<vmem>>) offsets(%arg8 : memref<128xi32, #tpu.memory_space<vmem>>) semaphore(%arg23 : memref<!tpu.dma_semaphore, #tpu.memory_space<semaphore_mem>>)
      } else {
      }
      %mul3A_143 = arith.constant 3 : i32
      %mul3A_144 = arith.muli %add3A_93, %mul3A_143 : i32
      %add3A_145 = arith.constant 2 : i32
      %add3A_146 = arith.addi %mul3A_144, %add3A_145 : i32
      %add3A_147 = arith.constant 3 : i32
      %add3A_148 = arith.addi %add3A_146, %add3A_147 : i32
      %dma_wait3A_149 = arith.constant 0 : i32
      %dma_wait3A_150 = arith.constant 0 : i32
      %dma_wait3A_151 = tpu.memref_slice %arg2[%dma_wait3A_149, %dma_wait3A_150] : memref<10240x128xf32, #tpu.memory_space<hbm>> -> memref<10240x128xf32, #tpu.memory_space<hbm>>
      tpu.wait_indirect_dma semaphore(%arg24 : memref<!tpu.dma_semaphore, #tpu.memory_space<semaphore_mem>>) src(%dma_wait3A_151 : memref<10240x128xf32, #tpu.memory_space<hbm>>) dst(%arg15 : memref<128x128xf32, #tpu.memory_space<vmem>>)
      %lt3A_152 = arith.constant 40 : i32
      %lt3A_153 = arith.cmpi slt, %add3A_148, %lt3A_152 : i32
      %convert_element_type3A_154 = arith.extui %lt3A_153 : i1 to i32
      %cond3A_155 = arith.constant 0 : i32
      %cond3A_156 = arith.cmpi ne, %convert_element_type3A_154, %cond3A_155 : i32
      scf.if %cond3A_156 {
        %dma_start3A_169 = arith.constant 0 : i32
        %dma_start3A_170 = tpu.memref_slice %arg3[%arg0, %arg1, %add3A_148, %dma_start3A_169] : memref<2x16x40x128xi32, #tpu.memory_space<hbm>> -> memref<1x1x1x128xi32, #tpu.memory_space<hbm>>
        %dma_start3A_171 = tpu.memref_squeeze %dma_start3A_170 : memref<1x1x1x128xi32, #tpu.memory_space<hbm>> -> memref<128xi32, #tpu.memory_space<hbm>>
        %dma_start3A_172 = arith.constant 0 : i32
        %dma_start3A_173 = tpu.memref_slice %arg3[%arg0, %arg1, %add3A_148, %dma_start3A_172] : memref<2x16x40x128xi32, #tpu.memory_space<hbm>> -> memref<1x1x1x128xi32, #tpu.memory_space<hbm>>
        %dma_start3A_174 = tpu.memref_squeeze %dma_start3A_173 : memref<1x1x1x128xi32, #tpu.memory_space<hbm>> -> memref<128xi32, #tpu.memory_space<hbm>>
        tpu.enqueue_dma source(%dma_start3A_174 : memref<128xi32, #tpu.memory_space<hbm>>) target(%arg9 : memref<128xi32, #tpu.memory_space<vmem>>) target_semaphore(%arg18 : memref<!tpu.dma_semaphore, #tpu.memory_space<semaphore_mem>>)
      } else {
      }
      %dma_wait3A_157 = arith.constant 0 : i32
      %dma_wait3A_158 = arith.constant 0 : i32
      %dma_wait3A_159 = tpu.memref_slice %arg4[%arg0, %arg1, %dma_wait3A_157, %dma_wait3A_158] : memref<2x16x40x128xi32, #tpu.memory_space<hbm>> -> memref<1x1x1x128xi32, #tpu.memory_space<hbm>>
      %dma_wait3A_160 = tpu.memref_squeeze %dma_wait3A_159 : memref<1x1x1x128xi32, #tpu.memory_space<hbm>> -> memref<128xi32, #tpu.memory_space<hbm>>
      %dma_wait3A_161 = arith.constant 0 : i32
      %dma_wait3A_162 = tpu.memref_slice %arg4[%arg0, %arg1, %dma_wait3A_157, %dma_wait3A_161] : memref<2x16x40x128xi32, #tpu.memory_space<hbm>> -> memref<1x1x1x128xi32, #tpu.memory_space<hbm>>
      %dma_wait3A_163 = tpu.memref_squeeze %dma_wait3A_162 : memref<1x1x1x128xi32, #tpu.memory_space<hbm>> -> memref<128xi32, #tpu.memory_space<hbm>>
      tpu.wait_dma2 semaphore(%arg21 : memref<!tpu.dma_semaphore, #tpu.memory_space<semaphore_mem>>) src(%dma_wait3A_163 : memref<128xi32, #tpu.memory_space<hbm>>) dst(%arg12 : memref<128xi32, #tpu.memory_space<vmem>>)
      "tpu.region"() ({
        %run_scoped3A = tpu.sem_alloc : memref<!tpu.dma_semaphore, #tpu.memory_space<semaphore_mem>>
        %dma_start3A_169 = arith.constant 0 : i32
        %dma_start3A_170 = arith.constant 0 : i32
        %dma_start3A_171 = tpu.memref_slice %arg25[%dma_start3A_169, %dma_start3A_170] : memref<10112x128xf32, #tpu.memory_space<vmem_shared>> -> memref<10112x128xf32, #tpu.memory_space<vmem_shared>>
        tpu.enqueue_indirect_dma source(%arg15 : memref<128x128xf32, #tpu.memory_space<vmem>>) target(%dma_start3A_171 : memref<10112x128xf32, #tpu.memory_space<vmem_shared>>) offsets(%arg12 : memref<128xi32, #tpu.memory_space<vmem>>) semaphore(%run_scoped3A : memref<!tpu.dma_semaphore, #tpu.memory_space<semaphore_mem>>) {add = true}
        %dma_wait3A_172 = arith.constant 0 : i32
        %dma_wait3A_173 = arith.constant 0 : i32
        %dma_wait3A_174 = tpu.memref_slice %arg25[%dma_wait3A_172, %dma_wait3A_173] : memref<10112x128xf32, #tpu.memory_space<vmem_shared>> -> memref<10112x128xf32, #tpu.memory_space<vmem_shared>>
        tpu.wait_indirect_dma semaphore(%run_scoped3A : memref<!tpu.dma_semaphore, #tpu.memory_space<semaphore_mem>>) src(%arg15 : memref<128x128xf32, #tpu.memory_space<vmem>>) dst(%dma_wait3A_174 : memref<10112x128xf32, #tpu.memory_space<vmem_shared>>)
        tpu.yield
      }) : () -> ()
      %lt3A_164 = arith.constant 40 : i32
      %lt3A_165 = arith.cmpi slt, %add3A_148, %lt3A_164 : i32
      %convert_element_type3A_166 = arith.extui %lt3A_165 : i1 to i32
      %cond3A_167 = arith.constant 0 : i32
      %cond3A_168 = arith.cmpi ne, %convert_element_type3A_166, %cond3A_167 : i32
      scf.if %cond3A_168 {
        %dma_start3A_169 = arith.constant 0 : i32
        %dma_start3A_170 = tpu.memref_slice %arg4[%arg0, %arg1, %add3A_148, %dma_start3A_169] : memref<2x16x40x128xi32, #tpu.memory_space<hbm>> -> memref<1x1x1x128xi32, #tpu.memory_space<hbm>>
        %dma_start3A_171 = tpu.memref_squeeze %dma_start3A_170 : memref<1x1x1x128xi32, #tpu.memory_space<hbm>> -> memref<128xi32, #tpu.memory_space<hbm>>
        %dma_start3A_172 = arith.constant 0 : i32
        %dma_start3A_173 = tpu.memref_slice %arg4[%arg0, %arg1, %add3A_148, %dma_start3A_172] : memref<2x16x40x128xi32, #tpu.memory_space<hbm>> -> memref<1x1x1x128xi32, #tpu.memory_space<hbm>>
        %dma_start3A_174 = tpu.memref_squeeze %dma_start3A_173 : memref<1x1x1x128xi32, #tpu.memory_space<hbm>> -> memref<128xi32, #tpu.memory_space<hbm>>
        tpu.enqueue_dma source(%dma_start3A_174 : memref<128xi32, #tpu.memory_space<hbm>>) target(%arg12 : memref<128xi32, #tpu.memory_space<vmem>>) target_semaphore(%arg21 : memref<!tpu.dma_semaphore, #tpu.memory_space<semaphore_mem>>)
        %dma_wait3A_175 = arith.constant 0 : i32
        %dma_wait3A_176 = arith.constant 0 : i32
        %dma_wait3A_177 = tpu.memref_slice %arg3[%arg0, %arg1, %dma_wait3A_175, %dma_wait3A_176] : memref<2x16x40x128xi32, #tpu.memory_space<hbm>> -> memref<1x1x1x128xi32, #tpu.memory_space<hbm>>
        %dma_wait3A_178 = tpu.memref_squeeze %dma_wait3A_177 : memref<1x1x1x128xi32, #tpu.memory_space<hbm>> -> memref<128xi32, #tpu.memory_space<hbm>>
        %dma_wait3A_179 = arith.constant 0 : i32
        %dma_wait3A_180 = tpu.memref_slice %arg3[%arg0, %arg1, %dma_wait3A_175, %dma_wait3A_179] : memref<2x16x40x128xi32, #tpu.memory_space<hbm>> -> memref<1x1x1x128xi32, #tpu.memory_space<hbm>>
        %dma_wait3A_181 = tpu.memref_squeeze %dma_wait3A_180 : memref<1x1x1x128xi32, #tpu.memory_space<hbm>> -> memref<128xi32, #tpu.memory_space<hbm>>
        tpu.wait_dma2 semaphore(%arg18 : memref<!tpu.dma_semaphore, #tpu.memory_space<semaphore_mem>>) src(%dma_wait3A_181 : memref<128xi32, #tpu.memory_space<hbm>>) dst(%arg9 : memref<128xi32, #tpu.memory_space<vmem>>)
        %dma_start3A_182 = arith.constant 0 : i32
        %dma_start3A_183 = arith.constant 0 : i32
        %dma_start3A_184 = tpu.memref_slice %arg2[%dma_start3A_182, %dma_start3A_183] : memref<10240x128xf32, #tpu.memory_space<hbm>> -> memref<10240x128xf32, #tpu.memory_space<hbm>>
        tpu.enqueue_indirect_dma source(%dma_start3A_184 : memref<10240x128xf32, #tpu.memory_space<hbm>>) target(%arg15 : memref<128x128xf32, #tpu.memory_space<vmem>>) offsets(%arg9 : memref<128xi32, #tpu.memory_space<vmem>>) semaphore(%arg24 : memref<!tpu.dma_semaphore, #tpu.memory_space<semaphore_mem>>)
      } else {
      }
    }
    %scan3A_74 = arith.constant 13 : i32
    %dma_wait3A_75 = arith.constant 0 : i32
    %dma_wait3A_76 = arith.constant 0 : i32
    %dma_wait3A_77 = tpu.memref_slice %arg2[%dma_wait3A_75, %dma_wait3A_76] : memref<10240x128xf32, #tpu.memory_space<hbm>> -> memref<10240x128xf32, #tpu.memory_space<hbm>>
    tpu.wait_indirect_dma semaphore(%arg22 : memref<!tpu.dma_semaphore, #tpu.memory_space<semaphore_mem>>) src(%dma_wait3A_77 : memref<10240x128xf32, #tpu.memory_space<hbm>>) dst(%arg13 : memref<128x128xf32, #tpu.memory_space<vmem>>)
    %dma_wait3A_78 = arith.constant 0 : i32
    %dma_wait3A_79 = arith.constant 0 : i32
    %dma_wait3A_80 = tpu.memref_slice %arg4[%arg0, %arg1, %dma_wait3A_78, %dma_wait3A_79] : memref<2x16x40x128xi32, #tpu.memory_space<hbm>> -> memref<1x1x1x128xi32, #tpu.memory_space<hbm>>
    %dma_wait3A_81 = tpu.memref_squeeze %dma_wait3A_80 : memref<1x1x1x128xi32, #tpu.memory_space<hbm>> -> memref<128xi32, #tpu.memory_space<hbm>>
    %dma_wait3A_82 = arith.constant 0 : i32
    %dma_wait3A_83 = tpu.memref_slice %arg4[%arg0, %arg1, %dma_wait3A_78, %dma_wait3A_82] : memref<2x16x40x128xi32, #tpu.memory_space<hbm>> -> memref<1x1x1x128xi32, #tpu.memory_space<hbm>>
    %dma_wait3A_84 = tpu.memref_squeeze %dma_wait3A_83 : memref<1x1x1x128xi32, #tpu.memory_space<hbm>> -> memref<128xi32, #tpu.memory_space<hbm>>
    tpu.wait_dma2 semaphore(%arg19 : memref<!tpu.dma_semaphore, #tpu.memory_space<semaphore_mem>>) src(%dma_wait3A_84 : memref<128xi32, #tpu.memory_space<hbm>>) dst(%arg10 : memref<128xi32, #tpu.memory_space<vmem>>)
    "tpu.region"() ({
      %run_scoped3A = tpu.sem_alloc : memref<!tpu.dma_semaphore, #tpu.memory_space<semaphore_mem>>
      %dma_start3A_90 = arith.constant 0 : i32
      %dma_start3A_91 = arith.constant 0 : i32
      %dma_start3A_92 = tpu.memref_slice %arg25[%dma_start3A_90, %dma_start3A_91] : memref<10112x128xf32, #tpu.memory_space<vmem_shared>> -> memref<10112x128xf32, #tpu.memory_space<vmem_shared>>
      tpu.enqueue_indirect_dma source(%arg13 : memref<128x128xf32, #tpu.memory_space<vmem>>) target(%dma_start3A_92 : memref<10112x128xf32, #tpu.memory_space<vmem_shared>>) offsets(%arg10 : memref<128xi32, #tpu.memory_space<vmem>>) semaphore(%run_scoped3A : memref<!tpu.dma_semaphore, #tpu.memory_space<semaphore_mem>>) {add = true}
      %dma_wait3A_93 = arith.constant 0 : i32
      %dma_wait3A_94 = arith.constant 0 : i32
      %dma_wait3A_95 = tpu.memref_slice %arg25[%dma_wait3A_93, %dma_wait3A_94] : memref<10112x128xf32, #tpu.memory_space<vmem_shared>> -> memref<10112x128xf32, #tpu.memory_space<vmem_shared>>
      tpu.wait_indirect_dma semaphore(%run_scoped3A : memref<!tpu.dma_semaphore, #tpu.memory_space<semaphore_mem>>) src(%arg13 : memref<128x128xf32, #tpu.memory_space<vmem>>) dst(%dma_wait3A_95 : memref<10112x128xf32, #tpu.memory_space<vmem_shared>>)
      tpu.yield
    }) : () -> ()
    %barrier3A_85 = arith.constant 0 : index
    tpu.barrier barrier_id(%barrier3A_85)
    %mul3A_86 = arith.constant 632 : i32
    %mul3A_87 = arith.muli %arg1, %mul3A_86 : i32
    %mul3A_88 = arith.constant 632 : i32
    %mul3A_89 = arith.muli %arg1, %mul3A_88 : i32
    "tpu.region"() ({
      %run_scoped3A = tpu.sem_alloc : memref<!tpu.dma_semaphore, #tpu.memory_space<semaphore_mem>>
      %dma_start3A_90 = arith.constant 0 : i32
      %dma_start3A_91 = tpu.memref_slice %arg6[%arg0, %mul3A_89, %dma_start3A_90] : memref<2x10240x128xf32, #tpu.memory_space<hbm>> -> memref<1x632x128xf32, #tpu.memory_space<hbm>>
      %dma_start3A_92 = tpu.memref_squeeze %dma_start3A_91 : memref<1x632x128xf32, #tpu.memory_space<hbm>> -> memref<632x128xf32, #tpu.memory_space<hbm>>
      %dma_start3A_93 = arith.constant 0 : i32
      %dma_start3A_94 = tpu.memref_slice %arg25[%mul3A_87, %dma_start3A_93] : memref<10112x128xf32, #tpu.memory_space<vmem_shared>> -> memref<632x128xf32, #tpu.memory_space<vmem_shared>>
      tpu.enqueue_dma source(%dma_start3A_94 : memref<632x128xf32, #tpu.memory_space<vmem_shared>>) target(%dma_start3A_92 : memref<632x128xf32, #tpu.memory_space<hbm>>) target_semaphore(%run_scoped3A : memref<!tpu.dma_semaphore, #tpu.memory_space<semaphore_mem>>)
      %dma_wait3A_95 = arith.constant 0 : i32
      %dma_wait3A_96 = tpu.memref_slice %arg6[%arg0, %mul3A_89, %dma_wait3A_95] : memref<2x10240x128xf32, #tpu.memory_space<hbm>> -> memref<1x632x128xf32, #tpu.memory_space<hbm>>
      %dma_wait3A_97 = tpu.memref_squeeze %dma_wait3A_96 : memref<1x632x128xf32, #tpu.memory_space<hbm>> -> memref<632x128xf32, #tpu.memory_space<hbm>>
      %dma_wait3A_98 = arith.constant 0 : i32
      %dma_wait3A_99 = tpu.memref_slice %arg25[%mul3A_87, %dma_wait3A_98] : memref<10112x128xf32, #tpu.memory_space<vmem_shared>> -> memref<632x128xf32, #tpu.memory_space<vmem_shared>>
      tpu.wait_dma2 semaphore(%run_scoped3A : memref<!tpu.dma_semaphore, #tpu.memory_space<semaphore_mem>>) src(%dma_wait3A_99 : memref<632x128xf32, #tpu.memory_space<vmem_shared>>) dst(%dma_wait3A_97 : memref<632x128xf32, #tpu.memory_space<hbm>>)
      tpu.yield
    }) : () -> ()
    return
  }
}

module attributes {stable_mosaic.version = 14 : i64} {
  func.func @body(%arg0: i32, %arg1: memref<1024x256xf32, #tpu.memory_space<vmem>>, %arg2: memref<256x256xf32, #tpu.memory_space<vmem>>, %arg3: memref<2x1024x128xf32, #tpu.memory_space<vmem>>, %arg4: memref<2x1024x128xf32, #tpu.memory_space<vmem>>) attributes {dimension_semantics = [#tpu.dimension_semantics<arbitrary>], iteration_bounds = array<i64: 10>, scalar_prefetch = 0 : i64, scratch_operands = 0 : i64, tpu.core_type = #tpu.core_type<tc>, window_params = [{transform_indices = @transform_0, window_bounds = array<i64: 1024, 256>}, {pipeline_mode = #tpu.pipeline_mode<synchronous>, transform_indices = @transform_1, window_bounds = array<i64: 256, 256>}, {transform_indices = @transform_2, window_bounds = array<i64: 2, 1024, 128>}, {transform_indices = @transform_3, window_bounds = array<i64: 2, 1024, 128>}]} {
    %get3A = arith.constant 0 : index
    %get3A_0 = arith.constant 0 : index
    %get3A_1 = vector.load %arg1[%get3A, %get3A_0] : memref<1024x256xf32, #tpu.memory_space<vmem>>, vector<1024x256xf32>
    %get3A_2 = arith.constant 0 : index
    %get3A_3 = arith.constant 0 : index
    %get3A_4 = vector.load %arg2[%get3A_2, %get3A_3] : memref<256x256xf32, #tpu.memory_space<vmem>>, vector<256x256xf32>
    %dot_general3A = arith.constant dense<0.000000e+00> : vector<1024x256xf32>
    %dot_general3A_5 = tpu.matmul %get3A_1, %get3A_4, %dot_general3A {dimension_numbers = #tpu.dot_dimension_numbers<[1], [0], [0], [1], [0, 0, 1, 1], [], []>, transpose_lhs_hint = false} : vector<1024x256xf32>, vector<256x256xf32>, vector<1024x256xf32> -> vector<1024x256xf32>
    %get3A_6 = arith.constant 0 : index
    %get3A_7 = arith.constant 0 : index
    %get3A_8 = arith.constant 0 : index
    %get3A_9 = vector.load %arg3[%get3A_6, %get3A_7, %get3A_8] : memref<2x1024x128xf32, #tpu.memory_space<vmem>>, vector<2x1024x128xf32>
    %slice3A = vector.extract_strided_slice %get3A_9 {offsets = [0, 0, 0], sizes = [1, 1024, 1], strides = [1, 1, 1]} : vector<2x1024x128xf32> to vector<1x1024x1xf32>
    %squeeze3A = vector.shape_cast %slice3A : vector<1x1024x1xf32> to vector<1024x1xf32>
    %slice3A_10 = vector.extract_strided_slice %get3A_9 {offsets = [1, 0, 0], sizes = [1, 1024, 1], strides = [1, 1, 1]} : vector<2x1024x128xf32> to vector<1x1024x1xf32>
    %squeeze3A_11 = vector.shape_cast %slice3A_10 : vector<1x1024x1xf32> to vector<1024x1xf32>
    %add3A = arith.addf %squeeze3A, %squeeze3A_11 : vector<1024x1xf32>
    %add3A_12 = arith.constant 1.000000e+00 : f32
    %add3A_13 = vector.broadcast %add3A_12 : f32 to vector<1024x1xf32>
    %add3A_14 = arith.addf %add3A, %add3A_13 : vector<1024x1xf32>
    %rsqrt3A = math.rsqrt %add3A_14 : vector<1024x1xf32>
    %mul3A = vector.broadcast %rsqrt3A : vector<1024x1xf32> to vector<1024x256xf32>
    %mul3A_15 = arith.mulf %dot_general3A_5, %mul3A : vector<1024x256xf32>
    %slice3A_16 = vector.extract_strided_slice %mul3A_15 {offsets = [0, 0], sizes = [1024, 128], strides = [1, 1]} : vector<1024x256xf32> to vector<1024x128xf32>
    %swap3A = arith.constant 0 : index
    %swap3A_17 = arith.constant 0 : index
    %swap3A_18 = arith.constant 0 : index
    %swap3A_19 = vector.load %arg4[%swap3A, %swap3A_17, %swap3A_18] : memref<2x1024x128xf32, #tpu.memory_space<vmem>>, vector<1x1024x128xf32>
    %swap3A_20 = vector.shape_cast %swap3A_19 : vector<1x1024x128xf32> to vector<1024x128xf32>
    %swap3A_21 = vector.shape_cast %slice3A_16 : vector<1024x128xf32> to vector<1x1024x128xf32>
    tpu.vector_store %arg4[%swap3A, %swap3A_17, %swap3A_18], %swap3A_21 {strides = array<i32>} : memref<2x1024x128xf32, #tpu.memory_space<vmem>>, vector<1x1024x128xf32>,
    %slice3A_22 = vector.extract_strided_slice %mul3A_15 {offsets = [0, 128], sizes = [1024, 128], strides = [1, 1]} : vector<1024x256xf32> to vector<1024x128xf32>
    %swap3A_23 = arith.constant 1 : index
    %swap3A_24 = arith.constant 0 : index
    %swap3A_25 = arith.constant 0 : index
    %swap3A_26 = vector.load %arg4[%swap3A_23, %swap3A_24, %swap3A_25] : memref<2x1024x128xf32, #tpu.memory_space<vmem>>, vector<1x1024x128xf32>
    %swap3A_27 = vector.shape_cast %swap3A_26 : vector<1x1024x128xf32> to vector<1024x128xf32>
    %swap3A_28 = vector.shape_cast %slice3A_22 : vector<1024x128xf32> to vector<1x1024x128xf32>
    tpu.vector_store %arg4[%swap3A_23, %swap3A_24, %swap3A_25], %swap3A_28 {strides = array<i32>} : memref<2x1024x128xf32, #tpu.memory_space<vmem>>, vector<1x1024x128xf32>,
    return
  }
  func.func @transform_0(%arg0: i32) -> (i32, i32) {
    %c0_i32 = arith.constant 0 : i32
    %c0_i32_0 = arith.constant 0 : i32
    return %arg0, %c0_i32 : i32, i32
  }
  func.func @transform_1(%arg0: i32) -> (i32, i32) {
    %c0_i32 = arith.constant 0 : i32
    %c0_i32_0 = arith.constant 0 : i32
    %c0_i32_1 = arith.constant 0 : i32
    return %c0_i32, %c0_i32_0 : i32, i32
  }
  func.func @transform_2(%arg0: i32) -> (i32, i32, i32) {
    %c0_i32 = arith.constant 0 : i32
    %c0_i32_0 = arith.constant 0 : i32
    %c0_i32_1 = arith.constant 0 : i32
    return %c0_i32, %arg0, %c0_i32_0 : i32, i32, i32
  }
  func.func @transform_3(%arg0: i32) -> (i32, i32, i32) {
    %c0_i32 = arith.constant 0 : i32
    %c0_i32_0 = arith.constant 0 : i32
    %c0_i32_1 = arith.constant 0 : i32
    return %c0_i32, %arg0, %c0_i32_0 : i32, i32, i32
  }
}

module attributes {stable_mosaic.version = 14 : i64} {
  func.func @body(%arg0: i32, %arg1: memref<2x1024x128xf32, #tpu.memory_space<vmem>>, %arg2: memref<2x1024x128xf32, #tpu.memory_space<vmem>>, %arg3: memref<2x1024x128xf32, #tpu.memory_space<vmem>>, %arg4: memref<1x256xf32, #tpu.memory_space<vmem>>, %arg5: memref<256x128xf32, #tpu.memory_space<vmem>>, %arg6: memref<1024x128xf32, #tpu.memory_space<vmem>>) attributes {dimension_semantics = [#tpu.dimension_semantics<arbitrary>], iteration_bounds = array<i64: 10>, scalar_prefetch = 0 : i64, scratch_operands = 0 : i64, tpu.core_type = #tpu.core_type<tc>, window_params = [{transform_indices = @transform_0, window_bounds = array<i64: 2, 1024, 128>}, {transform_indices = @transform_1, window_bounds = array<i64: 2, 1024, 128>}, {transform_indices = @transform_2, window_bounds = array<i64: 2, 1024, 128>}, {pipeline_mode = #tpu.pipeline_mode<synchronous>, transform_indices = @transform_3, window_bounds = array<i64: 1, 256>}, {pipeline_mode = #tpu.pipeline_mode<synchronous>, transform_indices = @transform_4, window_bounds = array<i64: 256, 128>}, {transform_indices = @transform_5, window_bounds = array<i64: 1024, 128>}]} {
    %get3A = arith.constant 0 : index
    %get3A_0 = arith.constant 0 : index
    %get3A_1 = arith.constant 0 : index
    %get3A_2 = vector.load %arg1[%get3A, %get3A_0, %get3A_1] : memref<2x1024x128xf32, #tpu.memory_space<vmem>>, vector<2x1024x128xf32>
    %get3A_3 = arith.constant 0 : index
    %get3A_4 = arith.constant 0 : index
    %get3A_5 = arith.constant 0 : index
    %get3A_6 = vector.load %arg2[%get3A_3, %get3A_4, %get3A_5] : memref<2x1024x128xf32, #tpu.memory_space<vmem>>, vector<2x1024x128xf32>
    %slice3A = vector.extract_strided_slice %get3A_2 {offsets = [0, 0, 0], sizes = [1, 1024, 128], strides = [1, 1, 1]} : vector<2x1024x128xf32> to vector<1x1024x128xf32>
    %squeeze3A = vector.shape_cast %slice3A : vector<1x1024x128xf32> to vector<1024x128xf32>
    %slice3A_7 = vector.extract_strided_slice %get3A_2 {offsets = [1, 0, 0], sizes = [1, 1024, 128], strides = [1, 1, 1]} : vector<2x1024x128xf32> to vector<1x1024x128xf32>
    %squeeze3A_8 = vector.shape_cast %slice3A_7 : vector<1x1024x128xf32> to vector<1024x128xf32>
    %concatenate3A = tpu.concatenate %squeeze3A, %squeeze3A_8 in 1 : vector<1024x128xf32>, vector<1024x128xf32> -> vector<1024x256xf32>
    %slice3A_9 = vector.extract_strided_slice %get3A_6 {offsets = [0, 0, 0], sizes = [1, 1024, 128], strides = [1, 1, 1]} : vector<2x1024x128xf32> to vector<1x1024x128xf32>
    %squeeze3A_10 = vector.shape_cast %slice3A_9 : vector<1x1024x128xf32> to vector<1024x128xf32>
    %slice3A_11 = vector.extract_strided_slice %get3A_6 {offsets = [1, 0, 0], sizes = [1, 1024, 128], strides = [1, 1, 1]} : vector<2x1024x128xf32> to vector<1x1024x128xf32>
    %squeeze3A_12 = vector.shape_cast %slice3A_11 : vector<1x1024x128xf32> to vector<1024x128xf32>
    %concatenate3A_13 = tpu.concatenate %squeeze3A_10, %squeeze3A_12 in 1 : vector<1024x128xf32>, vector<1024x128xf32> -> vector<1024x256xf32>
    %get3A_14 = arith.constant 0 : index
    %get3A_15 = arith.constant 0 : index
    %get3A_16 = arith.constant 0 : index
    %get3A_17 = vector.load %arg3[%get3A_14, %get3A_15, %get3A_16] : memref<2x1024x128xf32, #tpu.memory_space<vmem>>, vector<2x1024x128xf32>
    %slice3A_18 = vector.extract_strided_slice %get3A_17 {offsets = [0, 0, 0], sizes = [1, 1024, 1], strides = [1, 1, 1]} : vector<2x1024x128xf32> to vector<1x1024x1xf32>
    %squeeze3A_19 = vector.shape_cast %slice3A_18 : vector<1x1024x1xf32> to vector<1024x1xf32>
    %slice3A_20 = vector.extract_strided_slice %get3A_17 {offsets = [1, 0, 0], sizes = [1, 1024, 1], strides = [1, 1, 1]} : vector<2x1024x128xf32> to vector<1x1024x1xf32>
    %squeeze3A_21 = vector.shape_cast %slice3A_20 : vector<1x1024x1xf32> to vector<1024x1xf32>
    %add3A = arith.addf %squeeze3A_19, %squeeze3A_21 : vector<1024x1xf32>
    %add3A_22 = arith.constant 1.000000e+00 : f32
    %add3A_23 = vector.broadcast %add3A_22 : f32 to vector<1024x1xf32>
    %add3A_24 = arith.addf %add3A, %add3A_23 : vector<1024x1xf32>
    %rsqrt3A = math.rsqrt %add3A_24 : vector<1024x1xf32>
    %add3A_25 = arith.addf %concatenate3A, %concatenate3A_13 : vector<1024x256xf32>
    %mul3A = vector.broadcast %rsqrt3A : vector<1024x1xf32> to vector<1024x256xf32>
    %mul3A_26 = arith.mulf %mul3A, %add3A_25 : vector<1024x256xf32>
    %get3A_27 = arith.constant 0 : index
    %get3A_28 = arith.constant 0 : index
    %get3A_29 = vector.load %arg4[%get3A_27, %get3A_28] : memref<1x256xf32, #tpu.memory_space<vmem>>, vector<1x256xf32>
    %get3A_30 = vector.shape_cast %get3A_29 : vector<1x256xf32> to vector<256xf32>
    %broadcast_in_dim3A = vector.shape_cast %get3A_30 : vector<256xf32> to vector<1x256xf32>
    %add3A_31 = vector.broadcast %broadcast_in_dim3A : vector<1x256xf32> to vector<1024x256xf32>
    %add3A_32 = arith.addf %mul3A_26, %add3A_31 : vector<1024x256xf32>
    %max3A = arith.constant 0.000000e+00 : f32
    %max3A_33 = vector.broadcast %max3A : f32 to vector<1024x256xf32>
    %max3A_34 = arith.maximumf %add3A_32, %max3A_33 : vector<1024x256xf32>
    %get3A_35 = arith.constant 0 : index
    %get3A_36 = arith.constant 0 : index
    %get3A_37 = vector.load %arg5[%get3A_35, %get3A_36] : memref<256x128xf32, #tpu.memory_space<vmem>>, vector<256x128xf32>
    %dot_general3A = arith.constant dense<0.000000e+00> : vector<1024x128xf32>
    %dot_general3A_38 = tpu.matmul %max3A_34, %get3A_37, %dot_general3A {dimension_numbers = #tpu.dot_dimension_numbers<[1], [0], [0], [1], [0, 0, 1, 1], [], []>, transpose_lhs_hint = false} : vector<1024x256xf32>, vector<256x128xf32>, vector<1024x128xf32> -> vector<1024x128xf32>
    %mul3A_39 = vector.broadcast %rsqrt3A : vector<1024x1xf32> to vector<1024x128xf32>
    %mul3A_40 = arith.mulf %mul3A_39, %dot_general3A_38 : vector<1024x128xf32>
    %swap3A = arith.constant 0 : index
    %swap3A_41 = arith.constant 0 : index
    %swap3A_42 = vector.load %arg6[%swap3A, %swap3A_41] : memref<1024x128xf32, #tpu.memory_space<vmem>>, vector<1024x128xf32>
    tpu.vector_store %arg6[%swap3A, %swap3A_41], %mul3A_40 {strides = array<i32>} : memref<1024x128xf32, #tpu.memory_space<vmem>>, vector<1024x128xf32>,
    return
  }
  func.func @transform_0(%arg0: i32) -> (i32, i32, i32) {
    %c0_i32 = arith.constant 0 : i32
    %c0_i32_0 = arith.constant 0 : i32
    %c0_i32_1 = arith.constant 0 : i32
    return %c0_i32, %arg0, %c0_i32_0 : i32, i32, i32
  }
  func.func @transform_1(%arg0: i32) -> (i32, i32, i32) {
    %c0_i32 = arith.constant 0 : i32
    %c0_i32_0 = arith.constant 0 : i32
    %c0_i32_1 = arith.constant 0 : i32
    return %c0_i32, %arg0, %c0_i32_0 : i32, i32, i32
  }
  func.func @transform_2(%arg0: i32) -> (i32, i32, i32) {
    %c0_i32 = arith.constant 0 : i32
    %c0_i32_0 = arith.constant 0 : i32
    %c0_i32_1 = arith.constant 0 : i32
    return %c0_i32, %arg0, %c0_i32_0 : i32, i32, i32
  }
  func.func @transform_3(%arg0: i32) -> (i32, i32) {
    %c0_i32 = arith.constant 0 : i32
    %c0_i32_0 = arith.constant 0 : i32
    %c0_i32_1 = arith.constant 0 : i32
    return %c0_i32, %c0_i32_0 : i32, i32
  }
  func.func @transform_4(%arg0: i32) -> (i32, i32) {
    %c0_i32 = arith.constant 0 : i32
    %c0_i32_0 = arith.constant 0 : i32
    %c0_i32_1 = arith.constant 0 : i32
    return %c0_i32, %c0_i32_0 : i32, i32
  }
  func.func @transform_5(%arg0: i32) -> (i32, i32) {
    %c0_i32 = arith.constant 0 : i32
    %c0_i32_0 = arith.constant 0 : i32
    return %arg0, %c0_i32 : i32, i32
  }
}

module attributes {stable_mosaic.version = 14 : i64} {
  func.func @body(%arg0: i32, %arg1: memref<2x1024x128xf32, #tpu.memory_space<vmem>>, %arg2: memref<1024x128xf32, #tpu.memory_space<vmem>>, %arg3: memref<2x1024x128xf32, #tpu.memory_space<vmem>>, %arg4: memref<1x128xf32, #tpu.memory_space<vmem>>, %arg5: memref<1024x128xf32, #tpu.memory_space<vmem>>) attributes {dimension_semantics = [#tpu.dimension_semantics<arbitrary>], iteration_bounds = array<i64: 10>, scalar_prefetch = 0 : i64, scratch_operands = 0 : i64, tpu.core_type = #tpu.core_type<tc>, window_params = [{transform_indices = @transform_0, window_bounds = array<i64: 2, 1024, 128>}, {transform_indices = @transform_1, window_bounds = array<i64: 1024, 128>}, {transform_indices = @transform_2, window_bounds = array<i64: 2, 1024, 128>}, {pipeline_mode = #tpu.pipeline_mode<synchronous>, transform_indices = @transform_3, window_bounds = array<i64: 1, 128>}, {transform_indices = @transform_4, window_bounds = array<i64: 1024, 128>}]} {
    %get3A = arith.constant 0 : index
    %get3A_0 = arith.constant 0 : index
    %get3A_1 = arith.constant 0 : index
    %get3A_2 = vector.load %arg1[%get3A, %get3A_0, %get3A_1] : memref<2x1024x128xf32, #tpu.memory_space<vmem>>, vector<2x1024x128xf32>
    %get3A_3 = arith.constant 0 : index
    %get3A_4 = arith.constant 0 : index
    %get3A_5 = arith.constant 0 : index
    %get3A_6 = vector.load %arg3[%get3A_3, %get3A_4, %get3A_5] : memref<2x1024x128xf32, #tpu.memory_space<vmem>>, vector<2x1024x128xf32>
    %slice3A = vector.extract_strided_slice %get3A_6 {offsets = [0, 0, 0], sizes = [1, 1024, 1], strides = [1, 1, 1]} : vector<2x1024x128xf32> to vector<1x1024x1xf32>
    %squeeze3A = vector.shape_cast %slice3A : vector<1x1024x1xf32> to vector<1024x1xf32>
    %slice3A_7 = vector.extract_strided_slice %get3A_6 {offsets = [1, 0, 0], sizes = [1, 1024, 1], strides = [1, 1, 1]} : vector<2x1024x128xf32> to vector<1x1024x1xf32>
    %squeeze3A_8 = vector.shape_cast %slice3A_7 : vector<1x1024x1xf32> to vector<1024x1xf32>
    %add3A = arith.addf %squeeze3A, %squeeze3A_8 : vector<1024x1xf32>
    %add3A_9 = arith.constant 1.000000e+00 : f32
    %add3A_10 = vector.broadcast %add3A_9 : f32 to vector<1024x1xf32>
    %add3A_11 = arith.addf %add3A, %add3A_10 : vector<1024x1xf32>
    %rsqrt3A = math.rsqrt %add3A_11 : vector<1024x1xf32>
    %slice3A_12 = vector.extract_strided_slice %get3A_2 {offsets = [0, 0, 0], sizes = [1, 1024, 128], strides = [1, 1, 1]} : vector<2x1024x128xf32> to vector<1x1024x128xf32>
    %squeeze3A_13 = vector.shape_cast %slice3A_12 : vector<1x1024x128xf32> to vector<1024x128xf32>
    %slice3A_14 = vector.extract_strided_slice %get3A_2 {offsets = [1, 0, 0], sizes = [1, 1024, 128], strides = [1, 1, 1]} : vector<2x1024x128xf32> to vector<1x1024x128xf32>
    %squeeze3A_15 = vector.shape_cast %slice3A_14 : vector<1x1024x128xf32> to vector<1024x128xf32>
    %add3A_16 = arith.addf %squeeze3A_13, %squeeze3A_15 : vector<1024x128xf32>
    %get3A_17 = arith.constant 0 : index
    %get3A_18 = arith.constant 0 : index
    %get3A_19 = vector.load %arg2[%get3A_17, %get3A_18] : memref<1024x128xf32, #tpu.memory_space<vmem>>, vector<1024x128xf32>
    %add3A_20 = arith.addf %add3A_16, %get3A_19 : vector<1024x128xf32>
    %mul3A = vector.broadcast %rsqrt3A : vector<1024x1xf32> to vector<1024x128xf32>
    %mul3A_21 = arith.mulf %mul3A, %add3A_20 : vector<1024x128xf32>
    %get3A_22 = arith.constant 0 : index
    %get3A_23 = arith.constant 0 : index
    %get3A_24 = vector.load %arg4[%get3A_22, %get3A_23] : memref<1x128xf32, #tpu.memory_space<vmem>>, vector<1x128xf32>
    %get3A_25 = vector.shape_cast %get3A_24 : vector<1x128xf32> to vector<128xf32>
    %broadcast_in_dim3A = vector.shape_cast %get3A_25 : vector<128xf32> to vector<1x128xf32>
    %add3A_26 = vector.broadcast %broadcast_in_dim3A : vector<1x128xf32> to vector<1024x128xf32>
    %add3A_27 = arith.addf %mul3A_21, %add3A_26 : vector<1024x128xf32>
    %iota3A = tpu.iota {dimensions = array<i32: 1>} : vector<1024x128xi32>
    %lt3A = arith.constant 6 : i32
    %lt3A_28 = vector.broadcast %lt3A : i32 to vector<1024x128xi32>
    %lt3A_29 = arith.cmpi slt, %iota3A, %lt3A_28 : vector<1024x128xi32>
    %jit3A = arith.constant -1.000000e+30 : f32
    %broadcast_in_dim3A_30 = vector.broadcast %jit3A : f32 to vector<1024x128xf32>
    %select_n3A = arith.select %lt3A_29, %add3A_27, %broadcast_in_dim3A_30 : vector<1024x128xi1>, vector<1024x128xf32>
    %reduce_max3A = arith.constant dense<0xFF800000> : vector<1024xf32>
    %reduce_max3A_31 = vector.multi_reduction <maximumf>, %select_n3A, %reduce_max3A [1] : vector<1024x128xf32> to vector<1024xf32>
    %broadcast_in_dim3A_32 = vector.shape_cast %reduce_max3A_31 : vector<1024xf32> to vector<1024x1xf32>
    %sub3A = vector.broadcast %broadcast_in_dim3A_32 : vector<1024x1xf32> to vector<1024x128xf32>
    %sub3A_33 = arith.subf %add3A_27, %sub3A : vector<1024x128xf32>
    %exp3A = math.exp %sub3A_33 : vector<1024x128xf32>
    %jit3A_34 = arith.constant 0.000000e+00 : f32
    %broadcast_in_dim3A_35 = vector.broadcast %jit3A_34 : f32 to vector<1024x128xf32>
    %select_n3A_36 = arith.select %lt3A_29, %exp3A, %broadcast_in_dim3A_35 : vector<1024x128xi1>, vector<1024x128xf32>
    %reduce_sum3A = arith.constant dense<0.000000e+00> : vector<1024xf32>
    %reduce_sum3A_37 = vector.multi_reduction <add>, %select_n3A_36, %reduce_sum3A [1] : vector<1024x128xf32> to vector<1024xf32>
    %broadcast_in_dim3A_38 = vector.shape_cast %reduce_sum3A_37 : vector<1024xf32> to vector<1024x1xf32>
    %sub3A_39 = vector.broadcast %broadcast_in_dim3A_32 : vector<1024x1xf32> to vector<1024x128xf32>
    %sub3A_40 = arith.subf %add3A_27, %sub3A_39 : vector<1024x128xf32>
    %log3A = math.log %broadcast_in_dim3A_38 : vector<1024x1xf32>
    %sub3A_41 = vector.broadcast %log3A : vector<1024x1xf32> to vector<1024x128xf32>
    %sub3A_42 = arith.subf %sub3A_40, %sub3A_41 : vector<1024x128xf32>
    %swap3A = arith.constant 0 : index
    %swap3A_43 = arith.constant 0 : index
    %swap3A_44 = vector.load %arg5[%swap3A, %swap3A_43] : memref<1024x128xf32, #tpu.memory_space<vmem>>, vector<1024x128xf32>
    tpu.vector_store %arg5[%swap3A, %swap3A_43], %sub3A_42 {strides = array<i32>} : memref<1024x128xf32, #tpu.memory_space<vmem>>, vector<1024x128xf32>,
    return
  }
  func.func @transform_0(%arg0: i32) -> (i32, i32, i32) {
    %c0_i32 = arith.constant 0 : i32
    %c0_i32_0 = arith.constant 0 : i32
    %c0_i32_1 = arith.constant 0 : i32
    return %c0_i32, %arg0, %c0_i32_0 : i32, i32, i32
  }
  func.func @transform_1(%arg0: i32) -> (i32, i32) {
    %c0_i32 = arith.constant 0 : i32
    %c0_i32_0 = arith.constant 0 : i32
    return %arg0, %c0_i32 : i32, i32
  }
  func.func @transform_2(%arg0: i32) -> (i32, i32, i32) {
    %c0_i32 = arith.constant 0 : i32
    %c0_i32_0 = arith.constant 0 : i32
    %c0_i32_1 = arith.constant 0 : i32
    return %c0_i32, %arg0, %c0_i32_0 : i32, i32, i32
  }
  func.func @transform_3(%arg0: i32) -> (i32, i32) {
    %c0_i32 = arith.constant 0 : i32
    %c0_i32_0 = arith.constant 0 : i32
    %c0_i32_1 = arith.constant 0 : i32
    return %c0_i32, %c0_i32_0 : i32, i32
  }
  func.func @transform_4(%arg0: i32) -> (i32, i32) {
    %c0_i32 = arith.constant 0 : i32
    %c0_i32_0 = arith.constant 0 : i32
    return %arg0, %c0_i32 : i32, i32
  }
}

</mosaic_0001>

<sc_bundles>
// kernel: kernel.11.cloned.1.call-start
scs
__scs_entry_jumppad:
0x0: {  	(pc) =	sbr.rel $0x88, $3  }
0x1: {  	(tag) =	ssettag $0x0;
	lr =	simm.s32 $0x1  }
0x2: {  	[smem:$0x3F9B] =	sst lr;
	_ =	strace $0xD0000000  }
0x3: {  	_ = 	snop  }
0x4: {  	_ = 	snop  }
0x5: {  	_ = 	snop  }
0x6: {  	_ = 	snop  }
0x7: {  	_ = 	snop  }
__scs_overlays_trampoline_lowered:
0x8: {  	[smem:$0x3FAA] =	sst s0  }
0x9: {  	[smem:$0x3FAB] =	sst s1  }
0xa: {  	[smem:$0x3FAC] =	sst s2  }
0xb: {  	[smem:$0x3FAD] =	sst s3  }
0xc: {  	[smem:$0x3FAE] =	sst s4  }
0xd: {  	[smem:$0x3FAF] =	sst s5  }
0xe: {  	[smem:$0x3FB0] =	sst s6  }
0xf: {  	[smem:$0x3FB1] =	sst s7  }
0x10: {  	[smem:$0x3FB2] =	sst s8  }
0x11: {  	[smem:$0x3FB3] =	sst s9;
	s0 =	simm.s32 @!p0 $0x0  }
0x12: {  	s1 =	sld [smem:$0x3F99];
	s0 =	simm.s32 @p0 $0x1  }
0x13: {  	[smem:$0x3FB4] =	sst s0;
	s0 =	simm.s32 @!p1 $0x0  }
0x14: {  	s2 =	sld [smem:$0x3F98];
	s0 =	simm.s32 @p1 $0x1  }
0x15: {  	[smem:$0x3FB5] =	sst s0;
	s0 =	simm.s32 @!p2 $0x0  }
0x16: {  	s3 =	sld [smem:$0x3FDB];
	s0 =	simm.s32 @p2 $0x1  }
0x17: {  	s4 =	simm.s32 $0x1BF5;
	[smem:$0x3FB7] =	sst s0  }
0x18: {  	s0 =	sld [smem:$0x3F9A];
	_ =	swait.ge [sflag:s4], $0x0  }
0x19: {  	s7 =	sld [smem:$0x3F9B]  }
0x1a: {  	s8 =	sadd.s32 $0xFFFFE003, lr  }
0x1b: {  	s9 =	sadd.s32 $0xFFFFFEF7, lr;
	s5 =	simm.s32 $0xFFFFFFFF;
	p2 =	slt.u32 s8, $0xFFFFF086  }
0x1c: {  	p1 =	slt.u32 s9, $0xF7A;
	s5 =	simm.s32 @!p2 $0x0  }
0x1d: {  	s5 =	simm.s32 @p1 $0x1;
	p0 =	seq.s32 s7, s2  }
0x1e: {  	s7 =	smul.u32 @!p0 $0xF7A, s2;
	p2 =	seq.s32 @!p0 s5, $0x0  }
0x1f: {  	s9 =	smul.u32 $0xF7A, s1;
	s8 =	simm.s32 @!p0 $0x1BF5;
	p2 =	por !p2, p0  }
0x20: {  	[sflag:s8] =	ssyncset.s32 @!p0 $0xFFFFF086;
	s6 =	sadd.s32 @!p0 s3, s7;
	s7 =	simm.s32 @!p0 $0x108  }
0x21: {  	s3 =	sadd.s32 s3, s9;
	s6 =	sadd.s32 @!p0 $0x88, s6;
	s7 =	simm.s32 @p2 $0x1082  }
0x22: {  	[simem:s7], [sflag:s8] =	dma.local @!p0 [hbm:s6], $0xF7A  }
0x23: {  	s9 =	sor.u32 $0xD0000000, s2;
	s6 =	simm.s32 $0x108;
	_ =	swait.ge @!p0 [sflag:s8], $0x0  }
0x24: {  	s3 =	sadd.s32 $0x88, s3;
	s6 =	simm.s32 @!p1 $0x1082;
	[sflag:s4] =	ssyncset.s32 $0xFFFFF086  }
0x25: {  	[simem:s6], [sflag:s4] =	dma.local [hbm:s3], $0xF7A  }
0x26: {  	[smem:$0x3F9B] =	sst s1;
	(tag) =	ssettag s2;
	_ =	strace s9  }
0x27: {  	s1 =	sld [smem:$0x3FAB]  }
0x28: {  	s2 =	sld [smem:$0x3FAC]  }
0x29: {  	s4 =	sld [smem:$0x3FAE]  }
0x2a: {  	p0 =	seq.s32 s5, $0x0;
	s5 =	sld [smem:$0x3FAF]  }
0x2b: {  	s6 =	sld [smem:$0x3FB0]  }
0x2c: {  	s7 =	sld [smem:$0x3FB1]  }
0x2d: {  	s3 =	simm.s32 $0x108;
	s8 =	sld [smem:$0x3FB2]  }
0x2e: {  	s3 =	simm.s32 @!p0 $0x1082;
	s9 =	sld [smem:$0x3FB3]  }
0x2f: {  	lr =	sadd.s32 s0, s3;
	s0 =	sld [smem:$0x3FAA]  }
0x30: {  	s3 =	sld [smem:$0x3FAD]  }
0x31: {  	[smem:$0x3FB6] =	sst s10  }
0x32: {  	s10 =	sld [smem:$0x3FB4];
	_ =	sdelay $0x3  }
0x33: {  	p0 =	seq.s32 s10, $0x1;
	s10 =	sld [smem:$0x3FB6];
	_ =	sdelay $0x3  }
0x34: {  	[smem:$0x3FB6] =	sst s10  }
0x35: {  	s10 =	sld [smem:$0x3FB5];
	_ =	sdelay $0x3  }
0x36: {  	p1 =	seq.s32 s10, $0x1;
	s10 =	sld [smem:$0x3FB6];
	_ =	sdelay $0x3  }
0x37: {  	[smem:$0x3FB6] =	sst s10  }
0x38: {  	s10 =	sld [smem:$0x3FB7]  }
0x39: {  	_ = 	snop;
	(pc) =	sbr.ind lr, $3  }
0x3a: {  	_ = 	snop  }
0x3b: {  	_ = 	snop  }
0x3c: {  	p2 =	seq.s32 s10, $0x1;
	s10 =	sld [smem:$0x3FB6]  }
0x3d: {  	_ =	shalt  }
0x3e: {  	_ =	shalt  }
0x3f: {  	_ =	shalt  }
0x40: {  	_ =	shalt  }
0x41: {  	_ =	shalt  }
0x42: {  	_ =	shalt  }
0x43: {  	_ =	shalt  }
0x44: {  	_ =	shalt  }
0x45: {  	_ =	shalt  }
0x46: {  	_ =	shalt  }
0x47: {  	_ =	shalt  }
0x48: {  	_ =	shalt  }
0x49: {  	_ =	shalt  }
0x4a: {  	_ =	shalt  }
0x4b: {  	_ =	shalt  }
0x4c: {  	_ =	shalt  }
0x4d: {  	_ =	shalt  }
0x4e: {  	_ =	shalt  }
0x4f: {  	_ =	shalt  }
0x50: {  	_ =	shalt  }
0x51: {  	_ =	shalt  }
0x52: {  	_ =	shalt  }
0x53: {  	_ =	shalt  }
0x54: {  	_ =	shalt  }
0x55: {  	_ =	shalt  }
0x56: {  	_ =	shalt  }
0x57: {  	_ =	shalt  }
0x58: {  	_ =	shalt  }
0x59: {  	_ =	shalt  }
0x5a: {  	_ =	shalt  }
0x5b: {  	_ =	shalt  }
0x5c: {  	_ =	shalt  }
0x5d: {  	_ =	shalt  }
0x5e: {  	_ =	shalt  }
0x5f: {  	_ =	shalt  }
0x60: {  	_ =	shalt  }
0x61: {  	_ =	shalt  }
0x62: {  	_ =	shalt  }
0x63: {  	_ =	shalt  }
0x64: {  	_ =	shalt  }
0x65: {  	_ =	shalt  }
0x66: {  	_ =	shalt  }
0x67: {  	_ =	shalt  }
0x68: {  	_ =	shalt  }
0x69: {  	_ =	shalt  }
0x6a: {  	_ =	shalt  }
0x6b: {  	_ =	shalt  }
0x6c: {  	_ =	shalt  }
0x6d: {  	_ =	shalt  }
0x6e: {  	_ =	shalt  }
0x6f: {  	_ =	shalt  }
0x70: {  	_ =	shalt  }
0x71: {  	_ =	shalt  }
0x72: {  	_ =	shalt  }
0x73: {  	_ =	shalt  }
0x74: {  	_ =	shalt  }
0x75: {  	_ =	shalt  }
0x76: {  	_ =	shalt  }
0x77: {  	_ =	shalt  }
0x78: {  	_ =	shalt  }
0x79: {  	_ =	shalt  }
0x7a: {  	_ =	shalt  }
0x7b: {  	_ =	shalt  }
0x7c: {  	_ =	shalt  }
0x7d: {  	_ =	shalt  }
0x7e: {  	_ =	shalt  }
0x7f: {  	_ =	shalt  }
0x80: {  	_ =	shalt  }
0x81: {  	_ =	shalt  }
0x82: {  	_ =	shalt  }
0x83: {  	_ =	shalt  }
0x84: {  	_ =	shalt  }
0x85: {  	_ =	shalt  }
0x86: {  	_ =	shalt  }
0x87: {  	_ =	shalt  }
.Lfunc_end0:
.L_simem_size_0:
called_computation.1_lowered:
.L_overlay_start_0:
0x88: {  	s2 =	sld [smem:$0x3FD9]  }
0x89: {  	s3 =	sld [smem:$0x3FFE];
	_ =	sdelay $0x1  }
0x8a: {  	s1 =	srdreg.scid  }
0x8b: {  	s0 =	sand.u32 $0x1, s1  }
0x8c: {  	s17 =	sshll.u32 s0, $0xA;
	s2 =	sadd.s32 s3, s2  }
0x8d: {  	s2 =	sadd.s32 s2, s17  }
0x8e: {  	[smem:$0x3FC2] =	sst s2  }
0x8f: {  	_ = 	snop  }
0x90: {  	s2 =	sld [smem:$0x3FD0];
	(tm) =	ssettm $0x1  }
0x91: {  	s18 =	sld [smem:$0x3FFB];
	_ =	sdelay $0x3  }
0x92: {  	_ =	strace s18  }
0x93: {  	s3 =	sld [smem:$0x3FFC];
	_ =	sdelay $0x3  }
0x94: {  	_ =	strace s3  }
0x95: {  	s3 =	sld [smem:$0x3FFD];
	_ =	sdelay $0x3  }
0x96: {  	_ =	strace s3  }
0x97: {  	_ =	strace $0x8FFFFFFF  }
0x98: {  	s19 =	sld [smem:$0x3FDB];
	_ =	sdelay $0x1  }
0x99: {  	s4 =	simm.s32 $_scs_section_size  }
0x9a: {  	s5 =	simm.s32 $_size__tile_overlayer_lowered;
	s6 =	simm.s32 $_tile_overlayer_lowered  }
0x9b: {  	s22 =	simm.s32 $0x1BFF;
	s21 =	sshll.u32 s6, $0x1;
	s3 =	sadd.s32 s4, s19  }
0x9c: {  	s7 =	simm.s32 $0x0;
	s20 =	sshll.u32 s5, $0x1;
	s5 =	sadd.s32 s21, s3  }
0x9d: {  	[timem:s7], [sflag:s22] =	dma.local [hbm:s5], s20  }
0x9e: {  	_ =	swait.ge [sflag:s22], s20  }
0x9f: {  	s4 =	ssub.s32 $0x0, s20;
	[sflag:s22] =	ssyncset.done $0x0  }
0xa0: {  	[sflag:s22] =	ssyncadd.s32 s4;
	_ =	sdelay $0x1  }
0xa1: {  	s23 =	simm.s32 $0x1B8B  }
0xa2: {  	_ =	swait.ge [sflag:s23], $0x1  }
0xa3: {  	[sflag:s23] =	ssyncset.done $0x0  }
0xa4: {  	s25 =	simm.s32 $0x1B8E;
	s24 =	sld [smem:$0x3FFE];
	[sflag:s23] =	ssyncadd.s32 $0xFFFFFFFF  }
0xa5: {  	s26 =	simm.s32 $execute0_lowered;
	[smem:$0x3FD2] =	sst s25  }
0xa6: {  	s5 =	sshll.u32 s26, $0x1;
	_ =	strace $0x80000049;
	[dreg:$0x1] =	wrdreg $0xFFFFFFFF  }
0xa7: {  	s28 =	simm.s32 $_size_execute0_lowered;
	s3 =	sadd.s32 s3, s5;
	[dreg:$0x0] =	wrdreg $0x0  }
0xa8: {  	s5 =	sshll.u32 s28, $0x1;
	[dreg:$0x2] =	wrdreg s3  }
0xa9: {  	[dreg:$0x3] =	wrdreg s5  }
0xaa: {  	[dreg:$0x4] =	wrdreg $0xC0  }
0xab: {  	_ =	task [dreg:s7], $0x5FFFF  }
0xac: {  	[dreg:$0x1] =	wrdreg $0xFFFFFFFF  }
0xad: {  	[dreg:$0x0] =	wrdreg $0x60  }
0xae: {  	[dreg:$0x2] =	wrdreg s24  }
0xaf: {  	[dreg:$0x3] =	wrdreg s2  }
0xb0: {  	[dreg:$0x4] =	wrdreg $0xC3000  }
0xb1: {  	[dreg:$0x5] =	wrdreg $0x9  }
0xb2: {  	_ =	task.clear_ibuf [dreg:s7], $0x6FFFF;
	_ =	strace $0x90000049  }
0xb3: {  	s29 =	simm.s32 $0x9;
	_ =	strace $0x8000004B  }
0xb4: {  	_ =	swait.ge [sflag:s29], $0x1  }
0xb5: {  	[sflag:s29] =	ssyncadd.s32 $0xFFFFFFFF  }
0xb6: {  	_ =	strace $0x9000004B  }
0xb7: {  	_ =	sfence  }
0xb8: {  	s30 =	sld [smem:$0x0];
	_ =	sdelay $0x2  }
0xb9: {  	s31 =	sshll.u32 s1, $0xD;
	s1 =	sshrl.u32 s1, $0x2  }
0xba: {  	s3 =	sand.u32 $0x4000, s31;
	s1 =	sadd.s32 s1, s30  }
0xbb: {  	s0 =	sor.u32 s3, s0;
	s1 =	sshll.u32 s1, $0x11  }
0xbc: {  	s0 =	sor.u32 s1, s0  }
0xbd: {  	s0 =	sadd.s32 $0x8F2B, s0  }
0xbe: {  	[sflag:s0] =	ssyncadd.remote.s32 $0x1  }
0xbf: {  	_ =	sfence.sel $0xFFFF  }
0xc0: {  	[dreg:$0x0] =	wrdreg $0xFFFFFFFF;
	(pc) =	sbr.abs _section_cstart, $3  }
0xc1: {  	[dreg:$0x1] =	wrdreg $0xFFFFFFFF  }
0xc2: {  	_ =	task.clear_ibuf [dreg:s7], $0x2FFFF;
	_ =	strace $0x9FFFFFFF  }
0xc3: {  	(tm) =	ssettm $0x7FFFFFFF  }
tec
execute0_lowered:
.L_overlay_start_1:
0x0: {  	(tag) =	ssettag $0x1  }
0x1: {  	s0 =	rddreg [dreg:$0x0]  }
0x2: {  	s2 =	rddreg [dreg:$0x2];
	s4 =	simm.s32 $0x0  }
0x3: {  	s1 =	srdreg.scid;
	s12 =	stileid.u32;
	s28 =	simm.s32 $0x4300  }
0x4: {  	s29 =	simm.s32 $0x3;
	s30 =	simm.s32 $0x8300;
	s31 =	simm.s32 $0x7  }
0x5: {  	s13 =	simm.s32 $0x0;
	[smem:$0x7FF] =	sst s4;
	s7 =	smul.u32 $0x13C00, s12  }
0x6: {  	s1 =	sand.u32 $0x1, s1;
	s5 =	sadd.s32 $0x69000, s0;
	s8 =	smul.u32 $0x4F000, s12  }
0x7: {  	s6 =	sadd.s32 $0x5F000, s0;
	s11 =	smul.u32 $0x2800, s12;
	s19 =	sshll.u32 s12, $0x6  }
0x8: {  	s12 =	simm.s32 $0x280;
	s3 =	smul.u32 $0x140000, s1;
	s9 =	ssub.s32 $0x2, s1  }
0x9: {  	_ =	strace $0x8000004A;
	s1 =	smul.u32 $0x28000, s1;
	s10 =	sshrl.u32 s9, $0x1  }
0xa: {  	s18 =	sshrl.u32 s8, $0x2;
	s3 =	sadd.s32 s7, s3;
	s7 =	sadd.s32 $0xB9000, s0  }
0xb: {  	s17 =	ssub.s32 s9, s10;
	s8 =	sadd.s32 s11, s1;
	s20 =	sadd.s32 s18, s2  }
0xc: {  	s9 =	sor.u32 $0x1C0A, s19;
	s19 =	simm.s32 $0xA;
	s1 =	simm.s32 $0x5  }
0xd: {  	s3 =	sshrl.u32 s3, $0x3;
	s21 =	sshrl.u32 s8, $0x3;
	s17 =	smax.u32 s17, $0x1  }
0xe: {  	s18 =	sshrl.u32 s20, $0x3;
	s20 =	simm.s32 $0x180;
	s0 =	sadd.s32 s3, s0  }
0xf: {  	s22 =	sadd.s32 s6, s21;
	s23 =	sadd.s32 s7, s21;
	s24 =	sor.u32 $0x10, s21  }
0x10: {  	s10 =	sor.u32 $0x20, s21;
	s21 =	simm.s32 $0x80;
	[dreg:$0x4] =	wrdreg s22  }
0x11: {  	s3 =	simm.s32 $0x8;
	[dreg:$0x5] =	wrdreg s23;
	s25 =	sadd.s32 s6, s24  }
0x12: {  	s11 =	sadd.s32 s7, s24;
	s26 =	sadd.s32 s6, s10;
	[dreg:$0x6] =	wrdreg s25  }
.Ltmp0:
0x13: {  	s10 =	sadd.s32 s7, s10;
	[dreg:$0x7] =	wrdreg s11;
	(pc) =	sbr.rel .LBB2_1-.Ltmp0, $4  }
0x14: {  	s0 =	sadd.s32 $0xC3000, s0;
	s22 =	simm.s32 $0x200;
	[dreg:$0x8] =	wrdreg s26  }
0x15: {  	s23 =	simm.s32 $0x100;
	s24 =	simm.s32 $0x1;
	[dreg:$0x9] =	wrdreg s10  }
0x16: {  	[dreg:$0xa] =	wrdreg s0;
	s25 =	simm.s32 $0x300;
	s26 =	simm.s32 $0x2  }
0x17: {  	s0 =	simm.s32 $0x4;
	s10 =	simm.s32 $0x9;
	s11 =	simm.s32 $0x6  }
.LBB2_4:
0x18: {  	_ =	swait.ge [sflag:s11], $0x80  }
0x19: {  	[sflag:s11] =	ssyncset.done $0x0  }
0x1a: {  	[sflag:s11] =	ssyncadd.s32 $0xFFFFFF80  }
0x1b: {  	[spmem:s2] =	stream.indirect.scatter.add.f32 [tilespmem:s30], [sflag:$0xA], $0x80, s12, s21, $0xb8;
	[tilespmem:$0x1FF00] =	vst v63  }
0x1c: {  	_ =	swait.ge [sflag:s19], $0x4000  }
0x1d: {  	[sflag:s19] =	ssyncset.done $0x0  }
0x1e: {  	[sflag:s19] =	ssyncadd.s32 $0xFFFFC000  }
0x1f: {  	_ =	swait.ge [sflag:s31], $0x4000  }
0x20: {  	[sflag:s31] =	ssyncset.done $0x0  }
0x21: {  	[sflag:s31] =	ssyncadd.s32 $0xFFFFC000  }
0x22: {  	_ =	swait.ge [sflag:s0], $0x80  }
0x23: {  	[sflag:s0] =	ssyncset.done $0x0  }
0x24: {  	[sflag:s0] =	ssyncadd.s32 $0xFFFFFF80  }
0x25: {  	[spmem:s2] =	stream.indirect.scatter.add.f32 [tilespmem:s25], [sflag:$0xA], $0x80, s20, s21, $0xb8;
	[tilespmem:$0x1FF00] =	vst v63  }
0x26: {  	_ =	swait.ge [sflag:s19], $0x4000  }
0x27: {  	[sflag:s19] =	ssyncset.done $0x0  }
0x28: {  	[sflag:s19] =	ssyncadd.s32 $0xFFFFC000  }
0x29: {  	_ =	swait.ge [sflag:s3], $0x4000  }
0x2a: {  	[sflag:s3] =	ssyncset.done $0x0  }
0x2b: {  	[sflag:s3] =	ssyncadd.s32 $0xFFFFC000  }
0x2c: {  	_ =	swait.ge [sflag:s1], $0x80  }
0x2d: {  	[sflag:s1] =	ssyncset.done $0x0  }
0x2e: {  	[sflag:s1] =	ssyncadd.s32 $0xFFFFFF80  }
0x2f: {  	[spmem:s2] =	stream.indirect.scatter.add.f32 [tilespmem:s28], [sflag:$0xA], $0x80, s22, s21, $0xb8;
	[tilespmem:$0x1FF00] =	vst v63  }
0x30: {  	_ =	swait.ge [sflag:s19], $0x4000  }
0x31: {  	[sflag:s19] =	ssyncset.done $0x0  }
0x32: {  	s13 =	sadd.s32 $0x1, s13;
	[sflag:s19] =	ssyncadd.s32 $0xFFFFC000  }
0x33: {  	p0 =	sne.s32 s13, s17;
	[bflag:$0x0] =	sbarrier.arrive $0xFFFF  }
.Ltmp1:
0x34: {  	s14 =	rddreg [dreg:$0xa];
	(pc) =	sbr.rel @!p0 .LBB2_5-.Ltmp1, $4  }
0x35: {  	[hbm:s14], [sflag:s9] =	dma.local [spmem:s18], $0x2780  }
0x36: {  	_ =	swait.ge [sflag:s19], $0x2780  }
0x37: {  	[sflag:s19] =	ssyncset.done $0x0  }
0x38: {  	[sflag:s19] =	ssyncadd.s32 $0xFFFFD880  }
.LBB2_1:
0x39: {  	s14 =	rddreg [dreg:$0x1]  }
0x3a: {  	[spmem:s18], [sflag:s9] =	dma.local [hbm:s14], $0x2780  }
0x3b: {  	_ =	swait.ge [sflag:s19], $0x2780  }
0x3c: {  	[sflag:s19] =	ssyncset.done $0x0  }
0x3d: {  	[sflag:s19] =	ssyncadd.s32 $0xFFFFD880  }
0x3e: {  	[bflag:$0x0] =	sbarrier.arrive $0xFFFF  }
0x3f: {  	s15 =	rddreg [dreg:$0x4]  }
0x40: {  	[tilespmem:s4], [sflag:$0x1] =	stream.linear.gather [hbm4b:s15+s4], $0x80, $0x38;
	[tilespmem:$0x1FF00] =	vst v63  }
0x41: {  	s16 =	rddreg [dreg:$0x5]  }
0x42: {  	[tilespmem:s20], [sflag:$0x4] =	stream.linear.gather [hbm4b:s16+s4], $0x80, $0x38;
	[tilespmem:$0x1FF00] =	vst v63  }
0x43: {  	s15 =	rddreg [dreg:$0x6]  }
0x44: {  	[tilespmem:s21], [sflag:$0x2] =	stream.linear.gather [hbm4b:s15+s4], $0x80, $0x38;
	[tilespmem:$0x1FF00] =	vst v63  }
0x45: {  	s16 =	rddreg [dreg:$0x7]  }
0x46: {  	[tilespmem:s22], [sflag:$0x5] =	stream.linear.gather [hbm4b:s16+s4], $0x80, $0x38;
	[tilespmem:$0x1FF00] =	vst v63  }
0x47: {  	s15 =	rddreg [dreg:$0x8]  }
0x48: {  	[tilespmem:s23], [sflag:$0x3] =	stream.linear.gather [hbm4b:s15+s4], $0x80, $0x38;
	[tilespmem:$0x1FF00] =	vst v63  }
0x49: {  	s16 =	rddreg [dreg:$0x9]  }
0x4a: {  	[tilespmem:s12], [sflag:$0x6] =	stream.linear.gather [hbm4b:s16+s4], $0x80, $0x38;
	[tilespmem:$0x1FF00] =	vst v63  }
0x4b: {  	_ =	swait.ge [sflag:s24], $0x80  }
0x4c: {  	[sflag:s24] =	ssyncset.done $0x0  }
0x4d: {  	[sflag:s24] =	ssyncadd.s32 $0xFFFFFF80  }
0x4e: {  	[tilespmem:s25], [sflag:$0x7] =	stream.indirect.gather [hbm4b:s5+s21], $0x80, s4, s21, $0xb8;
	[tilespmem:$0x1FF00] =	vst v63  }
0x4f: {  	_ =	swait.ge [sflag:s26], $0x80  }
0x50: {  	[sflag:s26] =	ssyncset.done $0x0  }
0x51: {  	[sflag:s26] =	ssyncadd.s32 $0xFFFFFF80  }
0x52: {  	[tilespmem:s28], [sflag:$0x8] =	stream.indirect.gather [hbm4b:s5+s21], $0x80, s21, s21, $0xb8;
	[tilespmem:$0x1FF00] =	vst v63  }
0x53: {  	_ =	swait.ge [sflag:s29], $0x80  }
0x54: {  	[sflag:s29] =	ssyncset.done $0x0  }
0x55: {  	s14 =	simm.s32 $0x280;
	[sflag:s29] =	ssyncadd.s32 $0xFFFFFF80  }
0x56: {  	[tilespmem:s30], [sflag:$0x9] =	stream.indirect.gather [hbm4b:s5+s21], $0x80, s23, s21, $0xb8;
	[tilespmem:$0x1FF00] =	vst v63  }
.LBB2_2:
0x57: {  	s15 =	sadd.s32 $0xFFFFFF00, s14  }
0x58: {  	s16 =	sand.u32 $0x7C00, s15  }
0x59: {  	s15 =	sand.u32 $0x380, s15;
	s16 =	sadd.s32 s8, s16  }
0x5a: {  	_ =	swait.ge [sflag:s31], $0x4000;
	s15 =	sor.u32 s15, s16  }
0x5b: {  	[sflag:s31] =	ssyncset.done $0x0;
	s15 =	sshrl.u32 s15, $0x3  }
0x5c: {  	[sflag:s31] =	ssyncadd.s32 $0xFFFFC000;
	s16 =	sadd.s32 s6, s15  }
0x5d: {  	[tilespmem:s4], [sflag:$0x1] =	stream.linear.gather [hbm4b:s16+s4], $0x80, $0x38;
	[tilespmem:$0x1FF00] =	vst v63  }
0x5e: {  	_ =	swait.ge [sflag:s0], $0x80  }
0x5f: {  	[sflag:s0] =	ssyncset.done $0x0  }
0x60: {  	[sflag:s0] =	ssyncadd.s32 $0xFFFFFF80  }
0x61: {  	[spmem:s2] =	stream.indirect.scatter.add.f32 [tilespmem:s25], [sflag:$0xA], $0x80, s20, s21, $0xb8;
	[tilespmem:$0x1FF00] =	vst v63  }
0x62: {  	_ =	swait.ge [sflag:s19], $0x4000  }
0x63: {  	[sflag:s19] =	ssyncset.done $0x0  }
0x64: {  	s15 =	sadd.s32 s7, s15;
	[sflag:s19] =	ssyncadd.s32 $0xFFFFC000  }
0x65: {  	[tilespmem:s20], [sflag:$0x4] =	stream.linear.gather [hbm4b:s15+s4], $0x80, $0x38;
	[tilespmem:$0x1FF00] =	vst v63  }
0x66: {  	s15 =	sadd.s32 $0xFFFFFF80, s14;
	_ =	swait.ge [sflag:s24], $0x80  }
0x67: {  	s16 =	sand.u32 $0x7C00, s15;
	[sflag:s24] =	ssyncset.done $0x0  }
0x68: {  	s15 =	sand.u32 $0x380, s15;
	s16 =	sadd.s32 s8, s16;
	[sflag:s24] =	ssyncadd.s32 $0xFFFFFF80  }
0x69: {  	[tilespmem:s25], [sflag:$0x7] =	stream.indirect.gather [hbm4b:s5+s21], $0x80, s4, s21, $0xb8;
	[tilespmem:$0x1FF00] =	vst v63  }
0x6a: {  	s15 =	sor.u32 s15, s16;
	_ =	swait.ge [sflag:s3], $0x4000  }
0x6b: {  	s15 =	sshrl.u32 s15, $0x3;
	[sflag:s3] =	ssyncset.done $0x0  }
0x6c: {  	s16 =	sadd.s32 s6, s15;
	[sflag:s3] =	ssyncadd.s32 $0xFFFFC000  }
0x6d: {  	[tilespmem:s21], [sflag:$0x2] =	stream.linear.gather [hbm4b:s16+s4], $0x80, $0x38;
	[tilespmem:$0x1FF00] =	vst v63  }
0x6e: {  	_ =	swait.ge [sflag:s1], $0x80  }
0x6f: {  	[sflag:s1] =	ssyncset.done $0x0  }
0x70: {  	[sflag:s1] =	ssyncadd.s32 $0xFFFFFF80  }
0x71: {  	[spmem:s2] =	stream.indirect.scatter.add.f32 [tilespmem:s28], [sflag:$0xA], $0x80, s22, s21, $0xb8;
	[tilespmem:$0x1FF00] =	vst v63  }
0x72: {  	_ =	swait.ge [sflag:s19], $0x4000  }
0x73: {  	[sflag:s19] =	ssyncset.done $0x0  }
0x74: {  	s15 =	sadd.s32 s7, s15;
	[sflag:s19] =	ssyncadd.s32 $0xFFFFC000  }
0x75: {  	[tilespmem:s22], [sflag:$0x5] =	stream.linear.gather [hbm4b:s15+s4], $0x80, $0x38;
	[tilespmem:$0x1FF00] =	vst v63  }
0x76: {  	_ =	swait.ge [sflag:s26], $0x80  }
0x77: {  	p0 =	seq.s32 s14, $0x2800;
	[sflag:s26] =	ssyncset.done $0x0  }
.Ltmp2:
0x78: {  	[sflag:s26] =	ssyncadd.s32 $0xFFFFFF80;
	(pc) =	sbr.rel @p0 .LBB2_4-.Ltmp2, $4  }
0x79: {  	[tilespmem:s28], [sflag:$0x8] =	stream.indirect.gather [hbm4b:s5+s21], $0x80, s21, s21, $0xb8;
	[tilespmem:$0x1FF00] =	vst v63  }
0x7a: {  	_ =	swait.ge [sflag:s10], $0x4000  }
0x7b: {  	[sflag:s10] =	ssyncset.done $0x0  }
0x7c: {  	[sflag:s10] =	ssyncadd.s32 $0xFFFFC000  }
0x7d: {  	s15 =	sand.u32 $0x7C00, s14  }
0x7e: {  	s16 =	sand.u32 $0x380, s14;
	s15 =	sadd.s32 s8, s15  }
0x7f: {  	s15 =	sor.u32 s16, s15  }
0x80: {  	s15 =	sshrl.u32 s15, $0x3  }
0x81: {  	s16 =	sadd.s32 s6, s15  }
0x82: {  	[tilespmem:s23], [sflag:$0x3] =	stream.linear.gather [hbm4b:s16+s4], $0x80, $0x38;
	[tilespmem:$0x1FF00] =	vst v63  }
0x83: {  	_ =	swait.ge [sflag:s11], $0x80  }
0x84: {  	[sflag:s11] =	ssyncset.done $0x0  }
0x85: {  	[sflag:s11] =	ssyncadd.s32 $0xFFFFFF80  }
0x86: {  	[spmem:s2] =	stream.indirect.scatter.add.f32 [tilespmem:s30], [sflag:$0xA], $0x80, s12, s21, $0xb8;
	[tilespmem:$0x1FF00] =	vst v63  }
0x87: {  	_ =	swait.ge [sflag:s19], $0x4000  }
0x88: {  	[sflag:s19] =	ssyncset.done $0x0  }
0x89: {  	s15 =	sadd.s32 s7, s15;
	[sflag:s19] =	ssyncadd.s32 $0xFFFFC000  }
0x8a: {  	[tilespmem:s12], [sflag:$0x6] =	stream.linear.gather [hbm4b:s15+s4], $0x80, $0x38;
	[tilespmem:$0x1FF00] =	vst v63  }
.Ltmp3:
0x8b: {  	_ = 	snop;
	(pc) =	sbr.rel .LBB2_2-.Ltmp3, $4  }
0x8c: {  	_ =	swait.ge [sflag:s29], $0x80  }
0x8d: {  	[sflag:s29] =	ssyncset.done $0x0  }
0x8e: {  	s14 =	sadd.s32 $0x180, s14;
	[sflag:s29] =	ssyncadd.s32 $0xFFFFFF80  }
0x8f: {  	[tilespmem:s30], [sflag:$0x9] =	stream.indirect.gather [hbm4b:s5+s21], $0x80, s23, s21, $0xb8;
	[tilespmem:$0x1FF00] =	vst v63  }
.LBB2_5:
0x90: {  	_ =	sfence.sel $0x180000  }
0x91: {  	[bflag:$0x0] =	sbarrier.arrive $0xFFFF  }
0x92: {  	_ =	strace $0x9000004A  }
0x93: {  	s0 =	stileid.u32;
	[bflag:$0x2] =	sbarrier.arrive $0xFFFF  }
0x94: {  	p0 =	sne.s32 s0, $0x0;
	s0 =	rddreg [dreg:$0x3]  }
0x95: {  	s0 =	sadd.s32 @!p0 $0x100000, s0  }
0x96: {  	[sflag:s0] =	ssyncadd.tile.s32 @!p0 $0x1;
	_ =	shalt  }
.Lfunc_end2:
_tile_overlayer_lowered:
.L_overlay_start_2:
0x97: {  	(tag) =	ssettag $0x2  }
0x98: {  	s0 =	rddreg [dreg:$0x0];
	s2 =	stileid.u32  }
0x99: {  	s1 =	rddreg [dreg:$0x1];
	p0 =	sne.s32 s2, $0x0  }
0x9a: {  	s3 =	rddreg [dreg:$0x2];
	[bflag:$0x3] =	sbarrier.arrive $0xFFFF;
	s2 =	simm.s32 @!p0 $0x1C0A  }
0x9b: {  	[timem:s3], [sflag:s2] =	dma.local @!p0 [hbm:s0], s1  }
0x9c: {  	s0 =	simm.s32 @!p0 $0xA  }
0x9d: {  	_ =	swait.ge @!p0 [sflag:s0], s1  }
0x9e: {  	s1 =	ssub.s32 @!p0 $0x0, s1;
	[sflag:s0] =	ssyncset.done @!p0 $0x0  }
0x9f: {  	[sflag:s0] =	ssyncadd.s32 @!p0 s1  }
0xa0: {  	[bflag:$0x3] =	sbarrier.arrive $0xFFFF  }
0xa1: {  	_ =	shalt  }

// kernel: kernel.14.cloned.1.call-start
scs
__scs_entry_jumppad:
0x0: {  	(pc) =	sbr.rel $0x88, $3  }
0x1: {  	(tag) =	ssettag $0x0;
	lr =	simm.s32 $0x1  }
0x2: {  	[smem:$0x3F9B] =	sst lr;
	_ =	strace $0xD0000000  }
0x3: {  	_ = 	snop  }
0x4: {  	_ = 	snop  }
0x5: {  	_ = 	snop  }
0x6: {  	_ = 	snop  }
0x7: {  	_ = 	snop  }
__scs_overlays_trampoline_lowered:
0x8: {  	[smem:$0x3FAA] =	sst s0  }
0x9: {  	[smem:$0x3FAB] =	sst s1  }
0xa: {  	[smem:$0x3FAC] =	sst s2  }
0xb: {  	[smem:$0x3FAD] =	sst s3  }
0xc: {  	[smem:$0x3FAE] =	sst s4  }
0xd: {  	[smem:$0x3FAF] =	sst s5  }
0xe: {  	[smem:$0x3FB0] =	sst s6  }
0xf: {  	[smem:$0x3FB1] =	sst s7  }
0x10: {  	[smem:$0x3FB2] =	sst s8  }
0x11: {  	[smem:$0x3FB3] =	sst s9;
	s0 =	simm.s32 @!p0 $0x0  }
0x12: {  	s1 =	sld [smem:$0x3F99];
	s0 =	simm.s32 @p0 $0x1  }
0x13: {  	[smem:$0x3FB4] =	sst s0;
	s0 =	simm.s32 @!p1 $0x0  }
0x14: {  	s2 =	sld [smem:$0x3F98];
	s0 =	simm.s32 @p1 $0x1  }
0x15: {  	[smem:$0x3FB5] =	sst s0;
	s0 =	simm.s32 @!p2 $0x0  }
0x16: {  	s3 =	sld [smem:$0x3FDB];
	s0 =	simm.s32 @p2 $0x1  }
0x17: {  	s4 =	simm.s32 $0x1BF5;
	[smem:$0x3FB7] =	sst s0  }
0x18: {  	s0 =	sld [smem:$0x3F9A];
	_ =	swait.ge [sflag:s4], $0x0  }
0x19: {  	s7 =	sld [smem:$0x3F9B]  }
0x1a: {  	s8 =	sadd.s32 $0xFFFFE003, lr  }
0x1b: {  	s9 =	sadd.s32 $0xFFFFFEF7, lr;
	s5 =	simm.s32 $0xFFFFFFFF;
	p2 =	slt.u32 s8, $0xFFFFF086  }
0x1c: {  	p1 =	slt.u32 s9, $0xF7A;
	s5 =	simm.s32 @!p2 $0x0  }
0x1d: {  	s5 =	simm.s32 @p1 $0x1;
	p0 =	seq.s32 s7, s2  }
0x1e: {  	s7 =	smul.u32 @!p0 $0xF7A, s2;
	p2 =	seq.s32 @!p0 s5, $0x0  }
0x1f: {  	s9 =	smul.u32 $0xF7A, s1;
	s8 =	simm.s32 @!p0 $0x1BF5;
	p2 =	por !p2, p0  }
0x20: {  	[sflag:s8] =	ssyncset.s32 @!p0 $0xFFFFF086;
	s6 =	sadd.s32 @!p0 s3, s7;
	s7 =	simm.s32 @!p0 $0x108  }
0x21: {  	s3 =	sadd.s32 s3, s9;
	s6 =	sadd.s32 @!p0 $0x88, s6;
	s7 =	simm.s32 @p2 $0x1082  }
0x22: {  	[simem:s7], [sflag:s8] =	dma.local @!p0 [hbm:s6], $0xF7A  }
0x23: {  	s9 =	sor.u32 $0xD0000000, s2;
	s6 =	simm.s32 $0x108;
	_ =	swait.ge @!p0 [sflag:s8], $0x0  }
0x24: {  	s3 =	sadd.s32 $0x88, s3;
	s6 =	simm.s32 @!p1 $0x1082;
	[sflag:s4] =	ssyncset.s32 $0xFFFFF086  }
0x25: {  	[simem:s6], [sflag:s4] =	dma.local [hbm:s3], $0xF7A  }
0x26: {  	[smem:$0x3F9B] =	sst s1;
	(tag) =	ssettag s2;
	_ =	strace s9  }
0x27: {  	s1 =	sld [smem:$0x3FAB]  }
0x28: {  	s2 =	sld [smem:$0x3FAC]  }
0x29: {  	s4 =	sld [smem:$0x3FAE]  }
0x2a: {  	p0 =	seq.s32 s5, $0x0;
	s5 =	sld [smem:$0x3FAF]  }
0x2b: {  	s6 =	sld [smem:$0x3FB0]  }
0x2c: {  	s7 =	sld [smem:$0x3FB1]  }
0x2d: {  	s3 =	simm.s32 $0x108;
	s8 =	sld [smem:$0x3FB2]  }
0x2e: {  	s3 =	simm.s32 @!p0 $0x1082;
	s9 =	sld [smem:$0x3FB3]  }
0x2f: {  	lr =	sadd.s32 s0, s3;
	s0 =	sld [smem:$0x3FAA]  }
0x30: {  	s3 =	sld [smem:$0x3FAD]  }
0x31: {  	[smem:$0x3FB6] =	sst s10  }
0x32: {  	s10 =	sld [smem:$0x3FB4];
	_ =	sdelay $0x3  }
0x33: {  	p0 =	seq.s32 s10, $0x1;
	s10 =	sld [smem:$0x3FB6];
	_ =	sdelay $0x3  }
0x34: {  	[smem:$0x3FB6] =	sst s10  }
0x35: {  	s10 =	sld [smem:$0x3FB5];
	_ =	sdelay $0x3  }
0x36: {  	p1 =	seq.s32 s10, $0x1;
	s10 =	sld [smem:$0x3FB6];
	_ =	sdelay $0x3  }
0x37: {  	[smem:$0x3FB6] =	sst s10  }
0x38: {  	s10 =	sld [smem:$0x3FB7]  }
0x39: {  	_ = 	snop;
	(pc) =	sbr.ind lr, $3  }
0x3a: {  	_ = 	snop  }
0x3b: {  	_ = 	snop  }
0x3c: {  	p2 =	seq.s32 s10, $0x1;
	s10 =	sld [smem:$0x3FB6]  }
0x3d: {  	_ =	shalt  }
0x3e: {  	_ =	shalt  }
0x3f: {  	_ =	shalt  }
0x40: {  	_ =	shalt  }
0x41: {  	_ =	shalt  }
0x42: {  	_ =	shalt  }
0x43: {  	_ =	shalt  }
0x44: {  	_ =	shalt  }
0x45: {  	_ =	shalt  }
0x46: {  	_ =	shalt  }
0x47: {  	_ =	shalt  }
0x48: {  	_ =	shalt  }
0x49: {  	_ =	shalt  }
0x4a: {  	_ =	shalt  }
0x4b: {  	_ =	shalt  }
0x4c: {  	_ =	shalt  }
0x4d: {  	_ =	shalt  }
0x4e: {  	_ =	shalt  }
0x4f: {  	_ =	shalt  }
0x50: {  	_ =	shalt  }
0x51: {  	_ =	shalt  }
0x52: {  	_ =	shalt  }
0x53: {  	_ =	shalt  }
0x54: {  	_ =	shalt  }
0x55: {  	_ =	shalt  }
0x56: {  	_ =	shalt  }
0x57: {  	_ =	shalt  }
0x58: {  	_ =	shalt  }
0x59: {  	_ =	shalt  }
0x5a: {  	_ =	shalt  }
0x5b: {  	_ =	shalt  }
0x5c: {  	_ =	shalt  }
0x5d: {  	_ =	shalt  }
0x5e: {  	_ =	shalt  }
0x5f: {  	_ =	shalt  }
0x60: {  	_ =	shalt  }
0x61: {  	_ =	shalt  }
0x62: {  	_ =	shalt  }
0x63: {  	_ =	shalt  }
0x64: {  	_ =	shalt  }
0x65: {  	_ =	shalt  }
0x66: {  	_ =	shalt  }
0x67: {  	_ =	shalt  }
0x68: {  	_ =	shalt  }
0x69: {  	_ =	shalt  }
0x6a: {  	_ =	shalt  }
0x6b: {  	_ =	shalt  }
0x6c: {  	_ =	shalt  }
0x6d: {  	_ =	shalt  }
0x6e: {  	_ =	shalt  }
0x6f: {  	_ =	shalt  }
0x70: {  	_ =	shalt  }
0x71: {  	_ =	shalt  }
0x72: {  	_ =	shalt  }
0x73: {  	_ =	shalt  }
0x74: {  	_ =	shalt  }
0x75: {  	_ =	shalt  }
0x76: {  	_ =	shalt  }
0x77: {  	_ =	shalt  }
0x78: {  	_ =	shalt  }
0x79: {  	_ =	shalt  }
0x7a: {  	_ =	shalt  }
0x7b: {  	_ =	shalt  }
0x7c: {  	_ =	shalt  }
0x7d: {  	_ =	shalt  }
0x7e: {  	_ =	shalt  }
0x7f: {  	_ =	shalt  }
0x80: {  	_ =	shalt  }
0x81: {  	_ =	shalt  }
0x82: {  	_ =	shalt  }
0x83: {  	_ =	shalt  }
0x84: {  	_ =	shalt  }
0x85: {  	_ =	shalt  }
0x86: {  	_ =	shalt  }
0x87: {  	_ =	shalt  }
.Lfunc_end0:
.L_simem_size_0:
called_computation.2_lowered:
.L_overlay_start_0:
0x88: {  	s2 =	sld [smem:$0x3FD9]  }
0x89: {  	s3 =	sld [smem:$0x3FFE];
	_ =	sdelay $0x1  }
0x8a: {  	s1 =	srdreg.scid  }
0x8b: {  	s0 =	sand.u32 $0x1, s1  }
0x8c: {  	s17 =	sshll.u32 s0, $0xA;
	s2 =	sadd.s32 s3, s2  }
0x8d: {  	s2 =	sadd.s32 s2, s17  }
0x8e: {  	[smem:$0x3FC2] =	sst s2  }
0x8f: {  	_ = 	snop  }
0x90: {  	s2 =	sld [smem:$0x3FD0];
	(tm) =	ssettm $0x1  }
0x91: {  	s18 =	sld [smem:$0x3FFB];
	_ =	sdelay $0x3  }
0x92: {  	_ =	strace s18  }
0x93: {  	s3 =	sld [smem:$0x3FFC];
	_ =	sdelay $0x3  }
0x94: {  	_ =	strace s3  }
0x95: {  	s3 =	sld [smem:$0x3FFD];
	_ =	sdelay $0x3  }
0x96: {  	_ =	strace s3  }
0x97: {  	_ =	strace $0x8FFFFFFF  }
0x98: {  	s19 =	sld [smem:$0x3FDB];
	_ =	sdelay $0x1  }
0x99: {  	s4 =	simm.s32 $_scs_section_size  }
0x9a: {  	s5 =	simm.s32 $_size__tile_overlayer_lowered;
	s6 =	simm.s32 $_tile_overlayer_lowered  }
0x9b: {  	s22 =	simm.s32 $0x1BFF;
	s21 =	sshll.u32 s6, $0x1;
	s3 =	sadd.s32 s4, s19  }
0x9c: {  	s7 =	simm.s32 $0x0;
	s20 =	sshll.u32 s5, $0x1;
	s5 =	sadd.s32 s21, s3  }
0x9d: {  	[timem:s7], [sflag:s22] =	dma.local [hbm:s5], s20  }
0x9e: {  	_ =	swait.ge [sflag:s22], s20  }
0x9f: {  	s4 =	ssub.s32 $0x0, s20;
	[sflag:s22] =	ssyncset.done $0x0  }
0xa0: {  	[sflag:s22] =	ssyncadd.s32 s4;
	_ =	sdelay $0x1  }
0xa1: {  	s23 =	simm.s32 $0x1B8B  }
0xa2: {  	_ =	swait.ge [sflag:s23], $0x1  }
0xa3: {  	[sflag:s23] =	ssyncset.done $0x0  }
0xa4: {  	s25 =	simm.s32 $0x1B8E;
	s24 =	sld [smem:$0x3FFE];
	[sflag:s23] =	ssyncadd.s32 $0xFFFFFFFF  }
0xa5: {  	s26 =	simm.s32 $execute0_lowered;
	[smem:$0x3FD2] =	sst s25  }
0xa6: {  	s5 =	sshll.u32 s26, $0x1;
	_ =	strace $0x8000004C;
	[dreg:$0x1] =	wrdreg $0xFFFFFFFF  }
0xa7: {  	s28 =	simm.s32 $_size_execute0_lowered;
	s3 =	sadd.s32 s3, s5;
	[dreg:$0x0] =	wrdreg $0x0  }
0xa8: {  	s5 =	sshll.u32 s28, $0x1;
	[dreg:$0x2] =	wrdreg s3  }
0xa9: {  	[dreg:$0x3] =	wrdreg s5  }
0xaa: {  	[dreg:$0x4] =	wrdreg $0xC0  }
0xab: {  	_ =	task [dreg:s7], $0x5FFFF  }
0xac: {  	[dreg:$0x1] =	wrdreg $0xFFFFFFFF  }
0xad: {  	[dreg:$0x0] =	wrdreg $0x60  }
0xae: {  	[dreg:$0x2] =	wrdreg s24  }
0xaf: {  	[dreg:$0x3] =	wrdreg s2  }
0xb0: {  	[dreg:$0x4] =	wrdreg $0xC3000  }
0xb1: {  	[dreg:$0x5] =	wrdreg $0x9  }
0xb2: {  	_ =	task.clear_ibuf [dreg:s7], $0x6FFFF;
	_ =	strace $0x9000004C  }
0xb3: {  	s29 =	simm.s32 $0x9;
	_ =	strace $0x8000004E  }
0xb4: {  	_ =	swait.ge [sflag:s29], $0x1  }
0xb5: {  	[sflag:s29] =	ssyncadd.s32 $0xFFFFFFFF  }
0xb6: {  	_ =	strace $0x9000004E  }
0xb7: {  	_ =	sfence  }
0xb8: {  	s30 =	sld [smem:$0x0];
	_ =	sdelay $0x2  }
0xb9: {  	s31 =	sshll.u32 s1, $0xD;
	s1 =	sshrl.u32 s1, $0x2  }
0xba: {  	s3 =	sand.u32 $0x4000, s31;
	s1 =	sadd.s32 s1, s30  }
0xbb: {  	s0 =	sor.u32 s3, s0;
	s1 =	sshll.u32 s1, $0x11  }
0xbc: {  	s0 =	sor.u32 s1, s0  }
0xbd: {  	s0 =	sadd.s32 $0x8F2B, s0  }
0xbe: {  	[sflag:s0] =	ssyncadd.remote.s32 $0x1  }
0xbf: {  	_ =	sfence.sel $0xFFFF  }
0xc0: {  	[dreg:$0x0] =	wrdreg $0xFFFFFFFF;
	(pc) =	sbr.abs _section_cstart, $3  }
0xc1: {  	[dreg:$0x1] =	wrdreg $0xFFFFFFFF  }
0xc2: {  	_ =	task.clear_ibuf [dreg:s7], $0x2FFFF;
	_ =	strace $0x9FFFFFFF  }
0xc3: {  	(tm) =	ssettm $0x7FFFFFFF  }
tec
execute0_lowered:
.L_overlay_start_1:
0x0: {  	(tag) =	ssettag $0x1  }
0x1: {  	s0 =	rddreg [dreg:$0x0]  }
0x2: {  	s2 =	rddreg [dreg:$0x2];
	s4 =	simm.s32 $0x0  }
0x3: {  	s1 =	srdreg.scid;
	s12 =	stileid.u32;
	s28 =	simm.s32 $0x4300  }
0x4: {  	s29 =	simm.s32 $0x3;
	s30 =	simm.s32 $0x8300;
	s31 =	simm.s32 $0x7  }
0x5: {  	s13 =	simm.s32 $0x0;
	[smem:$0x7FF] =	sst s4;
	s7 =	smul.u32 $0x13C00, s12  }
0x6: {  	s1 =	sand.u32 $0x1, s1;
	s5 =	sadd.s32 $0x5F000, s0;
	s8 =	smul.u32 $0x4F000, s12  }
0x7: {  	s6 =	sadd.s32 $0x5A000, s0;
	s11 =	smul.u32 $0x1400, s12;
	s19 =	sshll.u32 s12, $0x6  }
0x8: {  	s12 =	simm.s32 $0x280;
	s3 =	smul.u32 $0x140000, s1;
	s9 =	ssub.s32 $0x2, s1  }
0x9: {  	_ =	strace $0x8000004D;
	s1 =	smul.u32 $0x14000, s1;
	s10 =	sshrl.u32 s9, $0x1  }
0xa: {  	s18 =	sshrl.u32 s8, $0x2;
	s3 =	sadd.s32 s7, s3;
	s7 =	sadd.s32 $0x2800, s0  }
0xb: {  	s17 =	ssub.s32 s9, s10;
	s8 =	sadd.s32 s11, s1;
	s20 =	sadd.s32 s18, s2  }
0xc: {  	s9 =	sor.u32 $0x1C0A, s19;
	s19 =	simm.s32 $0xA;
	s1 =	simm.s32 $0x5  }
0xd: {  	s3 =	sshrl.u32 s3, $0x3;
	s21 =	sshrl.u32 s8, $0x3;
	s17 =	smax.u32 s17, $0x1  }
0xe: {  	s18 =	sshrl.u32 s20, $0x3;
	s20 =	simm.s32 $0x180;
	s0 =	sadd.s32 s3, s0  }
0xf: {  	s22 =	sadd.s32 s6, s21;
	s23 =	sadd.s32 s7, s21;
	s24 =	sor.u32 $0x10, s21  }
0x10: {  	s10 =	sor.u32 $0x20, s21;
	s21 =	simm.s32 $0x80;
	[dreg:$0x4] =	wrdreg s22  }
0x11: {  	s3 =	simm.s32 $0x8;
	[dreg:$0x5] =	wrdreg s23;
	s25 =	sadd.s32 s6, s24  }
0x12: {  	s11 =	sadd.s32 s7, s24;
	s26 =	sadd.s32 s6, s10;
	[dreg:$0x6] =	wrdreg s25  }
.Ltmp0:
0x13: {  	s10 =	sadd.s32 s7, s10;
	[dreg:$0x7] =	wrdreg s11;
	(pc) =	sbr.rel .LBB2_1-.Ltmp0, $4  }
0x14: {  	s0 =	sadd.s32 $0x87000, s0;
	s22 =	simm.s32 $0x200;
	[dreg:$0x8] =	wrdreg s26  }
0x15: {  	s23 =	simm.s32 $0x100;
	s24 =	simm.s32 $0x1;
	[dreg:$0x9] =	wrdreg s10  }
0x16: {  	[dreg:$0xa] =	wrdreg s0;
	s25 =	simm.s32 $0x300;
	s26 =	simm.s32 $0x2  }
0x17: {  	s0 =	simm.s32 $0x4;
	s10 =	simm.s32 $0x9;
	s11 =	simm.s32 $0x6  }
.LBB2_4:
0x18: {  	_ =	swait.ge [sflag:s1], $0x80  }
0x19: {  	[sflag:s1] =	ssyncset.done $0x0  }
0x1a: {  	[sflag:s1] =	ssyncadd.s32 $0xFFFFFF80  }
0x1b: {  	[spmem:s2] =	stream.indirect.scatter.add.f32 [tilespmem:s28], [sflag:$0xA], $0x80, s22, s21, $0xb8;
	[tilespmem:$0x1FF00] =	vst v63  }
0x1c: {  	_ =	swait.ge [sflag:s19], $0x4000  }
0x1d: {  	[sflag:s19] =	ssyncset.done $0x0  }
0x1e: {  	[sflag:s19] =	ssyncadd.s32 $0xFFFFC000  }
0x1f: {  	_ =	swait.ge [sflag:s10], $0x4000  }
0x20: {  	[sflag:s10] =	ssyncset.done $0x0  }
0x21: {  	[sflag:s10] =	ssyncadd.s32 $0xFFFFC000  }
0x22: {  	_ =	swait.ge [sflag:s11], $0x80  }
0x23: {  	[sflag:s11] =	ssyncset.done $0x0  }
0x24: {  	[sflag:s11] =	ssyncadd.s32 $0xFFFFFF80  }
0x25: {  	[spmem:s2] =	stream.indirect.scatter.add.f32 [tilespmem:s30], [sflag:$0xA], $0x80, s12, s21, $0xb8;
	[tilespmem:$0x1FF00] =	vst v63  }
0x26: {  	_ =	swait.ge [sflag:s19], $0x4000  }
0x27: {  	[sflag:s19] =	ssyncset.done $0x0  }
0x28: {  	[sflag:s19] =	ssyncadd.s32 $0xFFFFC000  }
0x29: {  	_ =	swait.ge [sflag:s31], $0x4000  }
0x2a: {  	[sflag:s31] =	ssyncset.done $0x0  }
0x2b: {  	[sflag:s31] =	ssyncadd.s32 $0xFFFFC000  }
0x2c: {  	_ =	swait.ge [sflag:s0], $0x80  }
0x2d: {  	[sflag:s0] =	ssyncset.done $0x0  }
0x2e: {  	[sflag:s0] =	ssyncadd.s32 $0xFFFFFF80  }
0x2f: {  	[spmem:s2] =	stream.indirect.scatter.add.f32 [tilespmem:s25], [sflag:$0xA], $0x80, s20, s21, $0xb8;
	[tilespmem:$0x1FF00] =	vst v63  }
0x30: {  	_ =	swait.ge [sflag:s19], $0x4000  }
0x31: {  	[sflag:s19] =	ssyncset.done $0x0  }
0x32: {  	s13 =	sadd.s32 $0x1, s13;
	[sflag:s19] =	ssyncadd.s32 $0xFFFFC000  }
0x33: {  	p0 =	sne.s32 s13, s17;
	[bflag:$0x0] =	sbarrier.arrive $0xFFFF  }
.Ltmp1:
0x34: {  	s14 =	rddreg [dreg:$0xa];
	(pc) =	sbr.rel @!p0 .LBB2_5-.Ltmp1, $4  }
0x35: {  	[hbm:s14], [sflag:s9] =	dma.local [spmem:s18], $0x2780  }
0x36: {  	_ =	swait.ge [sflag:s19], $0x2780  }
0x37: {  	[sflag:s19] =	ssyncset.done $0x0  }
0x38: {  	[sflag:s19] =	ssyncadd.s32 $0xFFFFD880  }
.LBB2_1:
0x39: {  	s14 =	rddreg [dreg:$0x1]  }
0x3a: {  	[spmem:s18], [sflag:s9] =	dma.local [hbm:s14], $0x2780  }
0x3b: {  	_ =	swait.ge [sflag:s19], $0x2780  }
0x3c: {  	[sflag:s19] =	ssyncset.done $0x0  }
0x3d: {  	[sflag:s19] =	ssyncadd.s32 $0xFFFFD880  }
0x3e: {  	[bflag:$0x0] =	sbarrier.arrive $0xFFFF  }
0x3f: {  	s15 =	rddreg [dreg:$0x4]  }
0x40: {  	[tilespmem:s4], [sflag:$0x1] =	stream.linear.gather [hbm4b:s15+s4], $0x80, $0x38;
	[tilespmem:$0x1FF00] =	vst v63  }
0x41: {  	s16 =	rddreg [dreg:$0x5]  }
0x42: {  	[tilespmem:s20], [sflag:$0x4] =	stream.linear.gather [hbm4b:s16+s4], $0x80, $0x38;
	[tilespmem:$0x1FF00] =	vst v63  }
0x43: {  	s15 =	rddreg [dreg:$0x6]  }
0x44: {  	[tilespmem:s21], [sflag:$0x2] =	stream.linear.gather [hbm4b:s15+s4], $0x80, $0x38;
	[tilespmem:$0x1FF00] =	vst v63  }
0x45: {  	s16 =	rddreg [dreg:$0x7]  }
0x46: {  	[tilespmem:s22], [sflag:$0x5] =	stream.linear.gather [hbm4b:s16+s4], $0x80, $0x38;
	[tilespmem:$0x1FF00] =	vst v63  }
0x47: {  	s15 =	rddreg [dreg:$0x8]  }
0x48: {  	[tilespmem:s23], [sflag:$0x3] =	stream.linear.gather [hbm4b:s15+s4], $0x80, $0x38;
	[tilespmem:$0x1FF00] =	vst v63  }
0x49: {  	s16 =	rddreg [dreg:$0x9]  }
0x4a: {  	[tilespmem:s12], [sflag:$0x6] =	stream.linear.gather [hbm4b:s16+s4], $0x80, $0x38;
	[tilespmem:$0x1FF00] =	vst v63  }
0x4b: {  	_ =	swait.ge [sflag:s24], $0x80  }
0x4c: {  	[sflag:s24] =	ssyncset.done $0x0  }
0x4d: {  	[sflag:s24] =	ssyncadd.s32 $0xFFFFFF80  }
0x4e: {  	[tilespmem:s25], [sflag:$0x7] =	stream.indirect.gather [hbm4b:s5+s21], $0x80, s4, s21, $0xb8;
	[tilespmem:$0x1FF00] =	vst v63  }
0x4f: {  	_ =	swait.ge [sflag:s26], $0x80  }
0x50: {  	[sflag:s26] =	ssyncset.done $0x0  }
0x51: {  	[sflag:s26] =	ssyncadd.s32 $0xFFFFFF80  }
0x52: {  	[tilespmem:s28], [sflag:$0x8] =	stream.indirect.gather [hbm4b:s5+s21], $0x80, s21, s21, $0xb8;
	[tilespmem:$0x1FF00] =	vst v63  }
0x53: {  	_ =	swait.ge [sflag:s29], $0x80  }
0x54: {  	[sflag:s29] =	ssyncset.done $0x0  }
0x55: {  	s14 =	simm.s32 $0x280;
	[sflag:s29] =	ssyncadd.s32 $0xFFFFFF80  }
0x56: {  	[tilespmem:s30], [sflag:$0x9] =	stream.indirect.gather [hbm4b:s5+s21], $0x80, s23, s21, $0xb8;
	[tilespmem:$0x1FF00] =	vst v63  }
.LBB2_2:
0x57: {  	s15 =	sadd.s32 $0xFFFFFF00, s14  }
0x58: {  	s16 =	sand.u32 $0x3C00, s15  }
0x59: {  	s15 =	sand.u32 $0x380, s15;
	s16 =	sadd.s32 s8, s16  }
0x5a: {  	_ =	swait.ge [sflag:s31], $0x4000;
	s15 =	sor.u32 s15, s16  }
0x5b: {  	[sflag:s31] =	ssyncset.done $0x0;
	s15 =	sshrl.u32 s15, $0x3  }
0x5c: {  	[sflag:s31] =	ssyncadd.s32 $0xFFFFC000;
	s16 =	sadd.s32 s6, s15  }
0x5d: {  	[tilespmem:s4], [sflag:$0x1] =	stream.linear.gather [hbm4b:s16+s4], $0x80, $0x38;
	[tilespmem:$0x1FF00] =	vst v63  }
0x5e: {  	_ =	swait.ge [sflag:s0], $0x80  }
0x5f: {  	[sflag:s0] =	ssyncset.done $0x0  }
0x60: {  	[sflag:s0] =	ssyncadd.s32 $0xFFFFFF80  }
0x61: {  	[spmem:s2] =	stream.indirect.scatter.add.f32 [tilespmem:s25], [sflag:$0xA], $0x80, s20, s21, $0xb8;
	[tilespmem:$0x1FF00] =	vst v63  }
0x62: {  	_ =	swait.ge [sflag:s19], $0x4000  }
0x63: {  	[sflag:s19] =	ssyncset.done $0x0  }
0x64: {  	s15 =	sadd.s32 s7, s15;
	[sflag:s19] =	ssyncadd.s32 $0xFFFFC000  }
0x65: {  	[tilespmem:s20], [sflag:$0x4] =	stream.linear.gather [hbm4b:s15+s4], $0x80, $0x38;
	[tilespmem:$0x1FF00] =	vst v63  }
0x66: {  	_ =	swait.ge [sflag:s24], $0x80  }
0x67: {  	p0 =	seq.s32 s14, $0x1480;
	[sflag:s24] =	ssyncset.done $0x0  }
.Ltmp2:
0x68: {  	[sflag:s24] =	ssyncadd.s32 $0xFFFFFF80;
	(pc) =	sbr.rel @p0 .LBB2_4-.Ltmp2, $4  }
0x69: {  	[tilespmem:s25], [sflag:$0x7] =	stream.indirect.gather [hbm4b:s5+s21], $0x80, s4, s21, $0xb8;
	[tilespmem:$0x1FF00] =	vst v63  }
0x6a: {  	_ =	swait.ge [sflag:s3], $0x4000  }
0x6b: {  	[sflag:s3] =	ssyncset.done $0x0  }
0x6c: {  	[sflag:s3] =	ssyncadd.s32 $0xFFFFC000  }
0x6d: {  	s15 =	sadd.s32 $0xFFFFFF80, s14  }
0x6e: {  	s16 =	sand.u32 $0x3C00, s15  }
0x6f: {  	s15 =	sand.u32 $0x380, s15;
	s16 =	sadd.s32 s8, s16  }
0x70: {  	s15 =	sor.u32 s15, s16  }
0x71: {  	s15 =	sshrl.u32 s15, $0x3  }
0x72: {  	s16 =	sadd.s32 s6, s15  }
0x73: {  	[tilespmem:s21], [sflag:$0x2] =	stream.linear.gather [hbm4b:s16+s4], $0x80, $0x38;
	[tilespmem:$0x1FF00] =	vst v63  }
0x74: {  	_ =	swait.ge [sflag:s1], $0x80  }
0x75: {  	[sflag:s1] =	ssyncset.done $0x0  }
0x76: {  	[sflag:s1] =	ssyncadd.s32 $0xFFFFFF80  }
0x77: {  	[spmem:s2] =	stream.indirect.scatter.add.f32 [tilespmem:s28], [sflag:$0xA], $0x80, s22, s21, $0xb8;
	[tilespmem:$0x1FF00] =	vst v63  }
0x78: {  	_ =	swait.ge [sflag:s19], $0x4000  }
0x79: {  	[sflag:s19] =	ssyncset.done $0x0  }
0x7a: {  	s15 =	sadd.s32 s7, s15;
	[sflag:s19] =	ssyncadd.s32 $0xFFFFC000  }
0x7b: {  	[tilespmem:s22], [sflag:$0x5] =	stream.linear.gather [hbm4b:s15+s4], $0x80, $0x38;
	[tilespmem:$0x1FF00] =	vst v63  }
0x7c: {  	_ =	swait.ge [sflag:s26], $0x80  }
0x7d: {  	s16 =	sand.u32 $0x3C00, s14;
	[sflag:s26] =	ssyncset.done $0x0  }
0x7e: {  	s15 =	sadd.s32 s8, s16;
	s16 =	sand.u32 $0x380, s14;
	[sflag:s26] =	ssyncadd.s32 $0xFFFFFF80  }
0x7f: {  	[tilespmem:s28], [sflag:$0x8] =	stream.indirect.gather [hbm4b:s5+s21], $0x80, s21, s21, $0xb8;
	[tilespmem:$0x1FF00] =	vst v63  }
0x80: {  	s15 =	sor.u32 s16, s15;
	_ =	swait.ge [sflag:s10], $0x4000  }
0x81: {  	s15 =	sshrl.u32 s15, $0x3;
	[sflag:s10] =	ssyncset.done $0x0  }
0x82: {  	s16 =	sadd.s32 s6, s15;
	[sflag:s10] =	ssyncadd.s32 $0xFFFFC000  }
0x83: {  	[tilespmem:s23], [sflag:$0x3] =	stream.linear.gather [hbm4b:s16+s4], $0x80, $0x38;
	[tilespmem:$0x1FF00] =	vst v63  }
0x84: {  	_ =	swait.ge [sflag:s11], $0x80  }
0x85: {  	[sflag:s11] =	ssyncset.done $0x0  }
0x86: {  	[sflag:s11] =	ssyncadd.s32 $0xFFFFFF80  }
0x87: {  	[spmem:s2] =	stream.indirect.scatter.add.f32 [tilespmem:s30], [sflag:$0xA], $0x80, s12, s21, $0xb8;
	[tilespmem:$0x1FF00] =	vst v63  }
0x88: {  	_ =	swait.ge [sflag:s19], $0x4000  }
0x89: {  	[sflag:s19] =	ssyncset.done $0x0  }
0x8a: {  	s15 =	sadd.s32 s7, s15;
	[sflag:s19] =	ssyncadd.s32 $0xFFFFC000  }
0x8b: {  	[tilespmem:s12], [sflag:$0x6] =	stream.linear.gather [hbm4b:s15+s4], $0x80, $0x38;
	[tilespmem:$0x1FF00] =	vst v63  }
.Ltmp3:
0x8c: {  	_ = 	snop;
	(pc) =	sbr.rel .LBB2_2-.Ltmp3, $4  }
0x8d: {  	_ =	swait.ge [sflag:s29], $0x80  }
0x8e: {  	[sflag:s29] =	ssyncset.done $0x0  }
0x8f: {  	s14 =	sadd.s32 $0x180, s14;
	[sflag:s29] =	ssyncadd.s32 $0xFFFFFF80  }
0x90: {  	[tilespmem:s30], [sflag:$0x9] =	stream.indirect.gather [hbm4b:s5+s21], $0x80, s23, s21, $0xb8;
	[tilespmem:$0x1FF00] =	vst v63  }
.LBB2_5:
0x91: {  	_ =	sfence.sel $0x180000  }
0x92: {  	[bflag:$0x0] =	sbarrier.arrive $0xFFFF  }
0x93: {  	_ =	strace $0x9000004D  }
0x94: {  	s0 =	stileid.u32;
	[bflag:$0x2] =	sbarrier.arrive $0xFFFF  }
0x95: {  	p0 =	sne.s32 s0, $0x0;
	s0 =	rddreg [dreg:$0x3]  }
0x96: {  	s0 =	sadd.s32 @!p0 $0x100000, s0  }
0x97: {  	[sflag:s0] =	ssyncadd.tile.s32 @!p0 $0x1;
	_ =	shalt  }
.Lfunc_end2:
_tile_overlayer_lowered:
.L_overlay_start_2:
0x98: {  	(tag) =	ssettag $0x2  }
0x99: {  	s0 =	rddreg [dreg:$0x0];
	s2 =	stileid.u32  }
0x9a: {  	s1 =	rddreg [dreg:$0x1];
	p0 =	sne.s32 s2, $0x0  }
0x9b: {  	s3 =	rddreg [dreg:$0x2];
	[bflag:$0x3] =	sbarrier.arrive $0xFFFF;
	s2 =	simm.s32 @!p0 $0x1C0A  }
0x9c: {  	[timem:s3], [sflag:s2] =	dma.local @!p0 [hbm:s0], s1  }
0x9d: {  	s0 =	simm.s32 @!p0 $0xA  }
0x9e: {  	_ =	swait.ge @!p0 [sflag:s0], s1  }
0x9f: {  	s1 =	ssub.s32 @!p0 $0x0, s1;
	[sflag:s0] =	ssyncset.done @!p0 $0x0  }
0xa0: {  	[sflag:s0] =	ssyncadd.s32 @!p0 s1  }
0xa1: {  	[bflag:$0x3] =	sbarrier.arrive $0xFFFF  }
0xa2: {  	_ =	shalt  }

// kernel: kernel.8.cloned.1.call-start
scs
__scs_entry_jumppad:
0x0: {  	(pc) =	sbr.rel $0x88, $3  }
0x1: {  	(tag) =	ssettag $0x0;
	lr =	simm.s32 $0x1  }
0x2: {  	[smem:$0x3F9B] =	sst lr;
	_ =	strace $0xD0000000  }
0x3: {  	_ = 	snop  }
0x4: {  	_ = 	snop  }
0x5: {  	_ = 	snop  }
0x6: {  	_ = 	snop  }
0x7: {  	_ = 	snop  }
__scs_overlays_trampoline_lowered:
0x8: {  	[smem:$0x3FAA] =	sst s0  }
0x9: {  	[smem:$0x3FAB] =	sst s1  }
0xa: {  	[smem:$0x3FAC] =	sst s2  }
0xb: {  	[smem:$0x3FAD] =	sst s3  }
0xc: {  	[smem:$0x3FAE] =	sst s4  }
0xd: {  	[smem:$0x3FAF] =	sst s5  }
0xe: {  	[smem:$0x3FB0] =	sst s6  }
0xf: {  	[smem:$0x3FB1] =	sst s7  }
0x10: {  	[smem:$0x3FB2] =	sst s8  }
0x11: {  	[smem:$0x3FB3] =	sst s9;
	s0 =	simm.s32 @!p0 $0x0  }
0x12: {  	s1 =	sld [smem:$0x3F99];
	s0 =	simm.s32 @p0 $0x1  }
0x13: {  	[smem:$0x3FB4] =	sst s0;
	s0 =	simm.s32 @!p1 $0x0  }
0x14: {  	s2 =	sld [smem:$0x3F98];
	s0 =	simm.s32 @p1 $0x1  }
0x15: {  	[smem:$0x3FB5] =	sst s0;
	s0 =	simm.s32 @!p2 $0x0  }
0x16: {  	s3 =	sld [smem:$0x3FDB];
	s0 =	simm.s32 @p2 $0x1  }
0x17: {  	s4 =	simm.s32 $0x1BF5;
	[smem:$0x3FB7] =	sst s0  }
0x18: {  	s0 =	sld [smem:$0x3F9A];
	_ =	swait.ge [sflag:s4], $0x0  }
0x19: {  	s7 =	sld [smem:$0x3F9B]  }
0x1a: {  	s8 =	sadd.s32 $0xFFFFE003, lr  }
0x1b: {  	s9 =	sadd.s32 $0xFFFFFEF7, lr;
	s5 =	simm.s32 $0xFFFFFFFF;
	p2 =	slt.u32 s8, $0xFFFFF086  }
0x1c: {  	p1 =	slt.u32 s9, $0xF7A;
	s5 =	simm.s32 @!p2 $0x0  }
0x1d: {  	s5 =	simm.s32 @p1 $0x1;
	p0 =	seq.s32 s7, s2  }
0x1e: {  	s7 =	smul.u32 @!p0 $0xF7A, s2;
	p2 =	seq.s32 @!p0 s5, $0x0  }
0x1f: {  	s9 =	smul.u32 $0xF7A, s1;
	s8 =	simm.s32 @!p0 $0x1BF5;
	p2 =	por !p2, p0  }
0x20: {  	[sflag:s8] =	ssyncset.s32 @!p0 $0xFFFFF086;
	s6 =	sadd.s32 @!p0 s3, s7;
	s7 =	simm.s32 @!p0 $0x108  }
0x21: {  	s3 =	sadd.s32 s3, s9;
	s6 =	sadd.s32 @!p0 $0x88, s6;
	s7 =	simm.s32 @p2 $0x1082  }
0x22: {  	[simem:s7], [sflag:s8] =	dma.local @!p0 [hbm:s6], $0xF7A  }
0x23: {  	s9 =	sor.u32 $0xD0000000, s2;
	s6 =	simm.s32 $0x108;
	_ =	swait.ge @!p0 [sflag:s8], $0x0  }
0x24: {  	s3 =	sadd.s32 $0x88, s3;
	s6 =	simm.s32 @!p1 $0x1082;
	[sflag:s4] =	ssyncset.s32 $0xFFFFF086  }
0x25: {  	[simem:s6], [sflag:s4] =	dma.local [hbm:s3], $0xF7A  }
0x26: {  	[smem:$0x3F9B] =	sst s1;
	(tag) =	ssettag s2;
	_ =	strace s9  }
0x27: {  	s1 =	sld [smem:$0x3FAB]  }
0x28: {  	s2 =	sld [smem:$0x3FAC]  }
0x29: {  	s4 =	sld [smem:$0x3FAE]  }
0x2a: {  	p0 =	seq.s32 s5, $0x0;
	s5 =	sld [smem:$0x3FAF]  }
0x2b: {  	s6 =	sld [smem:$0x3FB0]  }
0x2c: {  	s7 =	sld [smem:$0x3FB1]  }
0x2d: {  	s3 =	simm.s32 $0x108;
	s8 =	sld [smem:$0x3FB2]  }
0x2e: {  	s3 =	simm.s32 @!p0 $0x1082;
	s9 =	sld [smem:$0x3FB3]  }
0x2f: {  	lr =	sadd.s32 s0, s3;
	s0 =	sld [smem:$0x3FAA]  }
0x30: {  	s3 =	sld [smem:$0x3FAD]  }
0x31: {  	[smem:$0x3FB6] =	sst s10  }
0x32: {  	s10 =	sld [smem:$0x3FB4];
	_ =	sdelay $0x3  }
0x33: {  	p0 =	seq.s32 s10, $0x1;
	s10 =	sld [smem:$0x3FB6];
	_ =	sdelay $0x3  }
0x34: {  	[smem:$0x3FB6] =	sst s10  }
0x35: {  	s10 =	sld [smem:$0x3FB5];
	_ =	sdelay $0x3  }
0x36: {  	p1 =	seq.s32 s10, $0x1;
	s10 =	sld [smem:$0x3FB6];
	_ =	sdelay $0x3  }
0x37: {  	[smem:$0x3FB6] =	sst s10  }
0x38: {  	s10 =	sld [smem:$0x3FB7]  }
0x39: {  	_ = 	snop;
	(pc) =	sbr.ind lr, $3  }
0x3a: {  	_ = 	snop  }
0x3b: {  	_ = 	snop  }
0x3c: {  	p2 =	seq.s32 s10, $0x1;
	s10 =	sld [smem:$0x3FB6]  }
0x3d: {  	_ =	shalt  }
0x3e: {  	_ =	shalt  }
0x3f: {  	_ =	shalt  }
0x40: {  	_ =	shalt  }
0x41: {  	_ =	shalt  }
0x42: {  	_ =	shalt  }
0x43: {  	_ =	shalt  }
0x44: {  	_ =	shalt  }
0x45: {  	_ =	shalt  }
0x46: {  	_ =	shalt  }
0x47: {  	_ =	shalt  }
0x48: {  	_ =	shalt  }
0x49: {  	_ =	shalt  }
0x4a: {  	_ =	shalt  }
0x4b: {  	_ =	shalt  }
0x4c: {  	_ =	shalt  }
0x4d: {  	_ =	shalt  }
0x4e: {  	_ =	shalt  }
0x4f: {  	_ =	shalt  }
0x50: {  	_ =	shalt  }
0x51: {  	_ =	shalt  }
0x52: {  	_ =	shalt  }
0x53: {  	_ =	shalt  }
0x54: {  	_ =	shalt  }
0x55: {  	_ =	shalt  }
0x56: {  	_ =	shalt  }
0x57: {  	_ =	shalt  }
0x58: {  	_ =	shalt  }
0x59: {  	_ =	shalt  }
0x5a: {  	_ =	shalt  }
0x5b: {  	_ =	shalt  }
0x5c: {  	_ =	shalt  }
0x5d: {  	_ =	shalt  }
0x5e: {  	_ =	shalt  }
0x5f: {  	_ =	shalt  }
0x60: {  	_ =	shalt  }
0x61: {  	_ =	shalt  }
0x62: {  	_ =	shalt  }
0x63: {  	_ =	shalt  }
0x64: {  	_ =	shalt  }
0x65: {  	_ =	shalt  }
0x66: {  	_ =	shalt  }
0x67: {  	_ =	shalt  }
0x68: {  	_ =	shalt  }
0x69: {  	_ =	shalt  }
0x6a: {  	_ =	shalt  }
0x6b: {  	_ =	shalt  }
0x6c: {  	_ =	shalt  }
0x6d: {  	_ =	shalt  }
0x6e: {  	_ =	shalt  }
0x6f: {  	_ =	shalt  }
0x70: {  	_ =	shalt  }
0x71: {  	_ =	shalt  }
0x72: {  	_ =	shalt  }
0x73: {  	_ =	shalt  }
0x74: {  	_ =	shalt  }
0x75: {  	_ =	shalt  }
0x76: {  	_ =	shalt  }
0x77: {  	_ =	shalt  }
0x78: {  	_ =	shalt  }
0x79: {  	_ =	shalt  }
0x7a: {  	_ =	shalt  }
0x7b: {  	_ =	shalt  }
0x7c: {  	_ =	shalt  }
0x7d: {  	_ =	shalt  }
0x7e: {  	_ =	shalt  }
0x7f: {  	_ =	shalt  }
0x80: {  	_ =	shalt  }
0x81: {  	_ =	shalt  }
0x82: {  	_ =	shalt  }
0x83: {  	_ =	shalt  }
0x84: {  	_ =	shalt  }
0x85: {  	_ =	shalt  }
0x86: {  	_ =	shalt  }
0x87: {  	_ =	shalt  }
.Lfunc_end0:
.L_simem_size_0:
called_computation_lowered:
.L_overlay_start_0:
0x88: {  	s2 =	sld [smem:$0x3FD9]  }
0x89: {  	s3 =	sld [smem:$0x3FFE];
	_ =	sdelay $0x1  }
0x8a: {  	s1 =	srdreg.scid  }
0x8b: {  	s0 =	sand.u32 $0x1, s1  }
0x8c: {  	s17 =	sshll.u32 s0, $0xA;
	s2 =	sadd.s32 s3, s2  }
0x8d: {  	s2 =	sadd.s32 s2, s17  }
0x8e: {  	[smem:$0x3FC2] =	sst s2  }
0x8f: {  	_ = 	snop  }
0x90: {  	s2 =	sld [smem:$0x3FD0];
	(tm) =	ssettm $0x1  }
0x91: {  	s18 =	sld [smem:$0x3FFB];
	_ =	sdelay $0x3  }
0x92: {  	_ =	strace s18  }
0x93: {  	s3 =	sld [smem:$0x3FFC];
	_ =	sdelay $0x3  }
0x94: {  	_ =	strace s3  }
0x95: {  	s3 =	sld [smem:$0x3FFD];
	_ =	sdelay $0x3  }
0x96: {  	_ =	strace s3  }
0x97: {  	_ =	strace $0x8FFFFFFF  }
0x98: {  	s19 =	sld [smem:$0x3FDB];
	_ =	sdelay $0x1  }
0x99: {  	s4 =	simm.s32 $_scs_section_size  }
0x9a: {  	s5 =	simm.s32 $_size__tile_overlayer_lowered;
	s6 =	simm.s32 $_tile_overlayer_lowered  }
0x9b: {  	s22 =	simm.s32 $0x1BFF;
	s21 =	sshll.u32 s6, $0x1;
	s3 =	sadd.s32 s4, s19  }
0x9c: {  	s7 =	simm.s32 $0x0;
	s20 =	sshll.u32 s5, $0x1;
	s5 =	sadd.s32 s21, s3  }
0x9d: {  	[timem:s7], [sflag:s22] =	dma.local [hbm:s5], s20  }
0x9e: {  	_ =	swait.ge [sflag:s22], s20  }
0x9f: {  	s4 =	ssub.s32 $0x0, s20;
	[sflag:s22] =	ssyncset.done $0x0  }
0xa0: {  	[sflag:s22] =	ssyncadd.s32 s4;
	_ =	sdelay $0x1  }
0xa1: {  	s23 =	simm.s32 $0x1B8B  }
0xa2: {  	_ =	swait.ge [sflag:s23], $0x1  }
0xa3: {  	[sflag:s23] =	ssyncset.done $0x0  }
0xa4: {  	s25 =	simm.s32 $0x1B8E;
	s24 =	sld [smem:$0x3FFE];
	[sflag:s23] =	ssyncadd.s32 $0xFFFFFFFF  }
0xa5: {  	s26 =	simm.s32 $execute0_lowered;
	[smem:$0x3FD2] =	sst s25  }
0xa6: {  	s5 =	sshll.u32 s26, $0x1;
	_ =	strace $0x80000046;
	[dreg:$0x1] =	wrdreg $0xFFFFFFFF  }
0xa7: {  	s28 =	simm.s32 $_size_execute0_lowered;
	s3 =	sadd.s32 s3, s5;
	[dreg:$0x0] =	wrdreg $0x0  }
0xa8: {  	s5 =	sshll.u32 s28, $0x1;
	[dreg:$0x2] =	wrdreg s3  }
0xa9: {  	[dreg:$0x3] =	wrdreg s5  }
0xaa: {  	[dreg:$0x4] =	wrdreg $0xC0  }
0xab: {  	_ =	task [dreg:s7], $0x5FFFF  }
0xac: {  	[dreg:$0x1] =	wrdreg $0xFFFFFFFF  }
0xad: {  	[dreg:$0x0] =	wrdreg $0x60  }
0xae: {  	[dreg:$0x2] =	wrdreg s24  }
0xaf: {  	[dreg:$0x3] =	wrdreg s2  }
0xb0: {  	[dreg:$0x4] =	wrdreg $0x54000  }
0xb1: {  	[dreg:$0x5] =	wrdreg $0x9  }
0xb2: {  	_ =	task.clear_ibuf [dreg:s7], $0x6FFFF;
	_ =	strace $0x90000046  }
0xb3: {  	s29 =	simm.s32 $0x9;
	_ =	strace $0x80000048  }
0xb4: {  	_ =	swait.ge [sflag:s29], $0x1  }
0xb5: {  	[sflag:s29] =	ssyncadd.s32 $0xFFFFFFFF  }
0xb6: {  	_ =	strace $0x90000048  }
0xb7: {  	_ =	sfence  }
0xb8: {  	s30 =	sld [smem:$0x0];
	_ =	sdelay $0x2  }
0xb9: {  	s31 =	sshll.u32 s1, $0xD;
	s1 =	sshrl.u32 s1, $0x2  }
0xba: {  	s3 =	sand.u32 $0x4000, s31;
	s1 =	sadd.s32 s1, s30  }
0xbb: {  	s0 =	sor.u32 s3, s0;
	s1 =	sshll.u32 s1, $0x11  }
0xbc: {  	s0 =	sor.u32 s1, s0  }
0xbd: {  	s0 =	sadd.s32 $0x8F2B, s0  }
0xbe: {  	[sflag:s0] =	ssyncadd.remote.s32 $0x1  }
0xbf: {  	_ =	sfence.sel $0xFFFF  }
0xc0: {  	[dreg:$0x0] =	wrdreg $0xFFFFFFFF;
	(pc) =	sbr.abs _section_cstart, $3  }
0xc1: {  	[dreg:$0x1] =	wrdreg $0xFFFFFFFF  }
0xc2: {  	_ =	task.clear_ibuf [dreg:s7], $0x2FFFF;
	_ =	strace $0x9FFFFFFF  }
0xc3: {  	(tm) =	ssettm $0x7FFFFFFF  }
tec
execute0_lowered:
.L_overlay_start_1:
0x0: {  	(tag) =	ssettag $0x1  }
0x1: {  	s0 =	srdreg.scid;
	s1 =	rddreg [dreg:$0x0]  }
0x2: {  	s8 =	stileid.u32;
	s3 =	rddreg [dreg:$0x2]  }
0x3: {  	s4 =	simm.s32 $0x0;
	s11 =	simm.s32 $0x2;
	s12 =	simm.s32 $0x1400  }
0x4: {  	s13 =	simm.s32 $0x80;
	s15 =	simm.s32 $0xB80;
	s16 =	simm.s32 $0xC00  }
0x5: {  	s17 =	simm.s32 $0xC80;
	s18 =	simm.s32 $0xD00;
	s19 =	simm.s32 $0xD80  }
0x6: {  	s20 =	simm.s32 $0xE00;
	s21 =	simm.s32 $0xE80;
	s22 =	simm.s32 $0xF00  }
0x7: {  	s23 =	simm.s32 $0xF80;
	s24 =	simm.s32 $0x1000;
	s28 =	simm.s32 $0x1180  }
0x8: {  	s29 =	simm.s32 $0x1200;
	s30 =	simm.s32 $0x1280;
	s31 =	simm.s32 $0x1300  }
0x9: {  	s0 =	sand.u32 $0x1, s0;
	s2 =	sshll.u32 s8, $0x1;
	s6 =	smul.u32 $0x14000, s8  }
0xa: {  	[smem:$0x7FF] =	sst s4;
	s7 =	smul.u32 $0x50000, s8;
	s26 =	sshll.u32 s8, $0x6  }
0xb: {  	s2 =	sor.u32 s0, s2;
	s5 =	smul.u32 $0x140000, s0;
	s0 =	ssub.s32 $0x2, s0  }
0xc: {  	_ =	strace $0x80000047;
	s2 =	smul.u32 $0x280, s2;
	s25 =	sshrl.u32 s0, $0x1  }
0xd: {  	s7 =	sshrl.u32 s7, $0x2;
	s6 =	sadd.s32 s6, s5;
	s5 =	sadd.s32 $0x7800, s1  }
0xe: {  	s0 =	ssub.s32 s0, s25;
	s10 =	sadd.s32 s7, s3;
	s25 =	simm.s32 $0x1080  }
0xf: {  	s2 =	sadd.s32 s2, s1;
	s6 =	sshrl.u32 s6, $0x3;
	s9 =	smax.u32 s0, $0x1  }
0x10: {  	s10 =	sshrl.u32 s10, $0x3;
	s0 =	simm.s32 $0x1;
	s1 =	sadd.s32 s6, s1  }
0x11: {  	s6 =	sor.u32 $0x1C02, s26;
	s7 =	sadd.s32 $0x2800, s2;
	s26 =	simm.s32 $0x1100  }
0x12: {  	s2 =	simm.s32 $0x0;
	s8 =	sadd.s32 $0xA000, s1;
	s1 =	simm.s32 $0x1380  }
.LBB2_1:
0x13: {  	[spmem:s10], [sflag:s6] =	dma.local [hbm:s5], $0x2800  }
0x14: {  	_ =	swait.ge [sflag:s11], $0x2800  }
0x15: {  	[sflag:s11] =	ssyncset.done $0x0  }
0x16: {  	[sflag:s11] =	ssyncadd.s32 $0xFFFFD800  }
0x17: {  	s14 =	rddreg [dreg:$0x1]  }
0x18: {  	[tilespmem:s12], [sflag:$0x2] =	stream.linear.gather [hbm4b:s14+s4], $0x4000, $0x38;
	[tilespmem:$0x19400] =	vst v63  }
0x19: {  	_ =	swait.ge [sflag:s11], $0x4000  }
0x1a: {  	[sflag:s11] =	ssyncset.done $0x0  }
0x1b: {  	[sflag:s11] =	ssyncadd.s32 $0xFFFFC000  }
0x1c: {  	[tilespmem:s4], [sflag:$0x2] =	stream.linear.gather [hbm4b:s7+s4], $0x1400, $0x38;
	[tilespmem:$0x19400] =	vst v63  }
0x1d: {  	_ =	swait.ge [sflag:s11], $0x1400  }
0x1e: {  	[sflag:s11] =	ssyncset.done $0x0  }
0x1f: {  	[sflag:s11] =	ssyncadd.s32 $0xFFFFEC00  }
0x20: {  	[bflag:$0x0] =	sbarrier.arrive $0xFFFF  }
0x21: {  	[spmem:s3] =	stream.indirect.scatter.add.f32 [tilespmem:s12], [sflag:$0x1], $0x80, s4, s13, $0xb8;
	[tilespmem:$0x19400] =	vst v63  }
0x22: {  	_ = 	snop  }
0x23: {  	[spmem:s3] =	stream.indirect.scatter.add.f32 [tilespmem:s12], [sflag:$0x1], $0x80, s13, s13, $0xb8;
	[tilespmem:$0x19400] =	vst v63  }
0x24: {  	s14 =	simm.s32 $0x100  }
0x25: {  	[spmem:s3] =	stream.indirect.scatter.add.f32 [tilespmem:s12], [sflag:$0x1], $0x80, s14, s13, $0xb8;
	[tilespmem:$0x19400] =	vst v63  }
0x26: {  	s14 =	simm.s32 $0x180  }
0x27: {  	[spmem:s3] =	stream.indirect.scatter.add.f32 [tilespmem:s12], [sflag:$0x1], $0x80, s14, s13, $0xb8;
	[tilespmem:$0x19400] =	vst v63  }
0x28: {  	s14 =	simm.s32 $0x200  }
0x29: {  	[spmem:s3] =	stream.indirect.scatter.add.f32 [tilespmem:s12], [sflag:$0x1], $0x80, s14, s13, $0xb8;
	[tilespmem:$0x19400] =	vst v63  }
0x2a: {  	s14 =	simm.s32 $0x280  }
0x2b: {  	[spmem:s3] =	stream.indirect.scatter.add.f32 [tilespmem:s12], [sflag:$0x1], $0x80, s14, s13, $0xb8;
	[tilespmem:$0x19400] =	vst v63  }
0x2c: {  	s14 =	simm.s32 $0x300  }
0x2d: {  	[spmem:s3] =	stream.indirect.scatter.add.f32 [tilespmem:s12], [sflag:$0x1], $0x80, s14, s13, $0xb8;
	[tilespmem:$0x19400] =	vst v63  }
0x2e: {  	s14 =	simm.s32 $0x380  }
0x2f: {  	[spmem:s3] =	stream.indirect.scatter.add.f32 [tilespmem:s12], [sflag:$0x1], $0x80, s14, s13, $0xb8;
	[tilespmem:$0x19400] =	vst v63  }
0x30: {  	s14 =	simm.s32 $0x400  }
0x31: {  	[spmem:s3] =	stream.indirect.scatter.add.f32 [tilespmem:s12], [sflag:$0x1], $0x80, s14, s13, $0xb8;
	[tilespmem:$0x19400] =	vst v63  }
0x32: {  	s14 =	simm.s32 $0x480  }
0x33: {  	[spmem:s3] =	stream.indirect.scatter.add.f32 [tilespmem:s12], [sflag:$0x1], $0x80, s14, s13, $0xb8;
	[tilespmem:$0x19400] =	vst v63  }
0x34: {  	s14 =	simm.s32 $0x500  }
0x35: {  	[spmem:s3] =	stream.indirect.scatter.add.f32 [tilespmem:s12], [sflag:$0x1], $0x80, s14, s13, $0xb8;
	[tilespmem:$0x19400] =	vst v63  }
0x36: {  	s14 =	simm.s32 $0x580  }
0x37: {  	[spmem:s3] =	stream.indirect.scatter.add.f32 [tilespmem:s12], [sflag:$0x1], $0x80, s14, s13, $0xb8;
	[tilespmem:$0x19400] =	vst v63  }
0x38: {  	s14 =	simm.s32 $0x600  }
0x39: {  	[spmem:s3] =	stream.indirect.scatter.add.f32 [tilespmem:s12], [sflag:$0x1], $0x80, s14, s13, $0xb8;
	[tilespmem:$0x19400] =	vst v63  }
0x3a: {  	s14 =	simm.s32 $0x680  }
0x3b: {  	[spmem:s3] =	stream.indirect.scatter.add.f32 [tilespmem:s12], [sflag:$0x1], $0x80, s14, s13, $0xb8;
	[tilespmem:$0x19400] =	vst v63  }
0x3c: {  	s14 =	simm.s32 $0x700  }
0x3d: {  	[spmem:s3] =	stream.indirect.scatter.add.f32 [tilespmem:s12], [sflag:$0x1], $0x80, s14, s13, $0xb8;
	[tilespmem:$0x19400] =	vst v63  }
0x3e: {  	s14 =	simm.s32 $0x780  }
0x3f: {  	[spmem:s3] =	stream.indirect.scatter.add.f32 [tilespmem:s12], [sflag:$0x1], $0x80, s14, s13, $0xb8;
	[tilespmem:$0x19400] =	vst v63  }
0x40: {  	s14 =	simm.s32 $0x800  }
0x41: {  	[spmem:s3] =	stream.indirect.scatter.add.f32 [tilespmem:s12], [sflag:$0x1], $0x80, s14, s13, $0xb8;
	[tilespmem:$0x19400] =	vst v63  }
0x42: {  	s14 =	simm.s32 $0x880  }
0x43: {  	[spmem:s3] =	stream.indirect.scatter.add.f32 [tilespmem:s12], [sflag:$0x1], $0x80, s14, s13, $0xb8;
	[tilespmem:$0x19400] =	vst v63  }
0x44: {  	s14 =	simm.s32 $0x900  }
0x45: {  	[spmem:s3] =	stream.indirect.scatter.add.f32 [tilespmem:s12], [sflag:$0x1], $0x80, s14, s13, $0xb8;
	[tilespmem:$0x19400] =	vst v63  }
0x46: {  	s14 =	simm.s32 $0x980  }
0x47: {  	[spmem:s3] =	stream.indirect.scatter.add.f32 [tilespmem:s12], [sflag:$0x1], $0x80, s14, s13, $0xb8;
	[tilespmem:$0x19400] =	vst v63  }
0x48: {  	s14 =	simm.s32 $0xA00  }
0x49: {  	[spmem:s3] =	stream.indirect.scatter.add.f32 [tilespmem:s12], [sflag:$0x1], $0x80, s14, s13, $0xb8;
	[tilespmem:$0x19400] =	vst v63  }
0x4a: {  	s14 =	simm.s32 $0xA80  }
0x4b: {  	[spmem:s3] =	stream.indirect.scatter.add.f32 [tilespmem:s12], [sflag:$0x1], $0x80, s14, s13, $0xb8;
	[tilespmem:$0x19400] =	vst v63  }
0x4c: {  	s14 =	simm.s32 $0xB00  }
0x4d: {  	[spmem:s3] =	stream.indirect.scatter.add.f32 [tilespmem:s12], [sflag:$0x1], $0x80, s14, s13, $0xb8;
	[tilespmem:$0x19400] =	vst v63  }
0x4e: {  	_ = 	snop  }
0x4f: {  	[spmem:s3] =	stream.indirect.scatter.add.f32 [tilespmem:s12], [sflag:$0x1], $0x80, s15, s13, $0xb8;
	[tilespmem:$0x19400] =	vst v63  }
0x50: {  	_ = 	snop  }
0x51: {  	[spmem:s3] =	stream.indirect.scatter.add.f32 [tilespmem:s12], [sflag:$0x1], $0x80, s16, s13, $0xb8;
	[tilespmem:$0x19400] =	vst v63  }
0x52: {  	_ = 	snop  }
0x53: {  	[spmem:s3] =	stream.indirect.scatter.add.f32 [tilespmem:s12], [sflag:$0x1], $0x80, s17, s13, $0xb8;
	[tilespmem:$0x19400] =	vst v63  }
0x54: {  	_ = 	snop  }
0x55: {  	[spmem:s3] =	stream.indirect.scatter.add.f32 [tilespmem:s12], [sflag:$0x1], $0x80, s18, s13, $0xb8;
	[tilespmem:$0x19400] =	vst v63  }
0x56: {  	_ = 	snop  }
0x57: {  	[spmem:s3] =	stream.indirect.scatter.add.f32 [tilespmem:s12], [sflag:$0x1], $0x80, s19, s13, $0xb8;
	[tilespmem:$0x19400] =	vst v63  }
0x58: {  	_ = 	snop  }
0x59: {  	[spmem:s3] =	stream.indirect.scatter.add.f32 [tilespmem:s12], [sflag:$0x1], $0x80, s20, s13, $0xb8;
	[tilespmem:$0x19400] =	vst v63  }
0x5a: {  	_ = 	snop  }
0x5b: {  	[spmem:s3] =	stream.indirect.scatter.add.f32 [tilespmem:s12], [sflag:$0x1], $0x80, s21, s13, $0xb8;
	[tilespmem:$0x19400] =	vst v63  }
0x5c: {  	_ = 	snop  }
0x5d: {  	[spmem:s3] =	stream.indirect.scatter.add.f32 [tilespmem:s12], [sflag:$0x1], $0x80, s22, s13, $0xb8;
	[tilespmem:$0x19400] =	vst v63  }
0x5e: {  	_ = 	snop  }
0x5f: {  	[spmem:s3] =	stream.indirect.scatter.add.f32 [tilespmem:s12], [sflag:$0x1], $0x80, s23, s13, $0xb8;
	[tilespmem:$0x19400] =	vst v63  }
0x60: {  	_ = 	snop  }
0x61: {  	[spmem:s3] =	stream.indirect.scatter.add.f32 [tilespmem:s12], [sflag:$0x1], $0x80, s24, s13, $0xb8;
	[tilespmem:$0x19400] =	vst v63  }
0x62: {  	_ = 	snop  }
0x63: {  	[spmem:s3] =	stream.indirect.scatter.add.f32 [tilespmem:s12], [sflag:$0x1], $0x80, s25, s13, $0xb8;
	[tilespmem:$0x19400] =	vst v63  }
0x64: {  	_ = 	snop  }
0x65: {  	[spmem:s3] =	stream.indirect.scatter.add.f32 [tilespmem:s12], [sflag:$0x1], $0x80, s26, s13, $0xb8;
	[tilespmem:$0x19400] =	vst v63  }
0x66: {  	_ = 	snop  }
0x67: {  	[spmem:s3] =	stream.indirect.scatter.add.f32 [tilespmem:s12], [sflag:$0x1], $0x80, s28, s13, $0xb8;
	[tilespmem:$0x19400] =	vst v63  }
0x68: {  	_ = 	snop  }
0x69: {  	[spmem:s3] =	stream.indirect.scatter.add.f32 [tilespmem:s12], [sflag:$0x1], $0x80, s29, s13, $0xb8;
	[tilespmem:$0x19400] =	vst v63  }
0x6a: {  	_ = 	snop  }
0x6b: {  	[spmem:s3] =	stream.indirect.scatter.add.f32 [tilespmem:s12], [sflag:$0x1], $0x80, s30, s13, $0xb8;
	[tilespmem:$0x19400] =	vst v63  }
0x6c: {  	_ = 	snop  }
0x6d: {  	[spmem:s3] =	stream.indirect.scatter.add.f32 [tilespmem:s12], [sflag:$0x1], $0x80, s31, s13, $0xb8;
	[tilespmem:$0x19400] =	vst v63  }
0x6e: {  	_ = 	snop  }
0x6f: {  	[spmem:s3] =	stream.indirect.scatter.add.f32 [tilespmem:s12], [sflag:$0x1], $0x80, s1, s13, $0xb8;
	[tilespmem:$0x19400] =	vst v63  }
0x70: {  	_ =	swait.ge [sflag:s0], $0x4000  }
0x71: {  	s14 =	simm.s32 $0x27;
	[sflag:s0] =	ssyncset.done $0x0  }
.LBB2_2:
0x72: {  	p0 =	sne.s32 s14, $0x1;
	s14 =	sadd.s32 $0xFFFFFFFF, s14;
	[sflag:s0] =	ssyncadd.s32 $0xFFFFC000  }
.Ltmp0:
0x73: {  	(pc) =	sbr.rel @p0 .LBB2_2-.Ltmp0, $3  }
0x74: {  	_ =	sdelay $0x1  }
0x75: {  	_ =	swait.ge [sflag:s0], $0x4000  }
0x76: {  	[sflag:s0] =	ssyncset.done $0x0  }
0x77: {  	s2 =	sadd.s32 $0x1, s2  }
0x78: {  	[sflag:s0] =	ssyncadd.s32 $0xFFFFC000;
	p0 =	sne.s32 s2, s9  }
.Ltmp1:
0x79: {  	[bflag:$0x0] =	sbarrier.arrive $0xFFFF;
	(pc) =	sbr.rel @p0 .LBB2_1-.Ltmp1, $4  }
0x7a: {  	[hbm:s8], [sflag:s6] =	dma.local [spmem:s10], $0x2800  }
0x7b: {  	_ =	swait.ge [sflag:s11], $0x2800  }
0x7c: {  	[sflag:s11] =	ssyncset.done $0x0  }
0x7d: {  	[sflag:s11] =	ssyncadd.s32 $0xFFFFD800  }
0x7e: {  	_ =	sfence.sel $0x180000  }
0x7f: {  	[bflag:$0x0] =	sbarrier.arrive $0xFFFF  }
0x80: {  	_ =	strace $0x90000047  }
0x81: {  	s0 =	stileid.u32;
	[bflag:$0x2] =	sbarrier.arrive $0xFFFF  }
0x82: {  	p0 =	sne.s32 s0, $0x0;
	s0 =	rddreg [dreg:$0x3]  }
0x83: {  	s0 =	sadd.s32 @!p0 $0x100000, s0  }
0x84: {  	[sflag:s0] =	ssyncadd.tile.s32 @!p0 $0x1;
	_ =	shalt  }
.Lfunc_end2:
_tile_overlayer_lowered:
.L_overlay_start_2:
0x85: {  	(tag) =	ssettag $0x2  }
0x86: {  	s0 =	rddreg [dreg:$0x0];
	s2 =	stileid.u32  }
0x87: {  	s1 =	rddreg [dreg:$0x1];
	p0 =	sne.s32 s2, $0x0  }
0x88: {  	s3 =	rddreg [dreg:$0x2];
	[bflag:$0x3] =	sbarrier.arrive $0xFFFF;
	s2 =	simm.s32 @!p0 $0x1C02  }
0x89: {  	[timem:s3], [sflag:s2] =	dma.local @!p0 [hbm:s0], s1  }
0x8a: {  	s0 =	simm.s32 @!p0 $0x2  }
0x8b: {  	_ =	swait.ge @!p0 [sflag:s0], s1  }
0x8c: {  	s1 =	ssub.s32 @!p0 $0x0, s1;
	[sflag:s0] =	ssyncset.done @!p0 $0x0  }
0x8d: {  	[sflag:s0] =	ssyncadd.s32 @!p0 s1  }
0x8e: {  	[bflag:$0x3] =	sbarrier.arrive $0xFFFF  }
0x8f: {  	_ =	shalt  }

</sc_bundles>
